<compile_context>
chip_gen: v7x
topology: tpu7x:2x2x1
jax: 0.10.2.dev20260603
libtpu: 0.0.44.dev20260713+nightly
codegen_flags: <defaults>
</compile_context>

<pallas_src>
import functools

import jax
import jax.numpy as jnp
from jax import lax
from jax.experimental import pallas as pl
from jax.experimental.pallas import tpu as pltpu
from jax.experimental.pallas import tpu_sc as plsc

_B, _S, _D = 4, 2048, 1024
_N = _B * _S
_NC, _NS = 2, 16
_NW = _NC * _NS
_PER_W = _N // _NW
_CHUNK = 16
_NCHUNK = _PER_W // _CHUNK
_NBUF = 7
_WLAG = 2

_mesh = plsc.VectorSubcoreMesh(core_axis_name="c", subcore_axis_name="s")


@functools.partial(
    pl.kernel,
    mesh=_mesh,
    out_type=jax.ShapeDtypeStruct((_B, _S, _D), jnp.float32),
    scratch_types=(
        [pltpu.VMEM((_PER_W,), jnp.int32)]
        + [pltpu.VMEM((_CHUNK, _D), jnp.float32) for _ in range(_NBUF)]
        + [pltpu.SemaphoreType.DMA for _ in range(2 * _NBUF)]
    ),
)
def _emb_gather(idx_hbm, table_hbm, out_hbm, idx_v, *bufs_and_sems):
    bufs = bufs_and_sems[:_NBUF]
    gsems = bufs_and_sems[_NBUF : 2 * _NBUF]
    wsems = bufs_and_sems[2 * _NBUF :]

    wid = lax.axis_index("s") * _NC + lax.axis_index("c")
    brow = wid // (_S // _PER_W)
    col0 = (wid % (_S // _PER_W)) * _PER_W

    pltpu.sync_copy(idx_hbm.at[brow, pl.ds(col0, _PER_W)], idx_v)

    def gather(j):
        b = j % _NBUF
        return pltpu.async_copy(
            table_hbm.at[idx_v.at[pl.ds(j * _CHUNK, _CHUNK)]], bufs[b], gsems[b]
        )

    def write(j):
        b = j % _NBUF
        return pltpu.async_copy(
            bufs[b], out_hbm.at[brow, pl.ds(col0 + j * _CHUNK, _CHUNK)], wsems[b]
        )

    gh = {}
    wh = {}
    for j in range(min(_NBUF, _NCHUNK)):
        gh[j] = gather(j)
    for j in range(_NCHUNK):
        gh[j].wait()
        wh[j] = write(j)
        k = j - _WLAG
        if k >= 0 and k + _NBUF < _NCHUNK:
            wh[k].wait()
            gh[k + _NBUF] = gather(k + _NBUF)
    for j in range(max(0, _NCHUNK - _NBUF), _NCHUNK):
        wh[j].wait()


def kernel(inputs, weight):
    return _emb_gather(inputs.astype(jnp.int32), weight)

# --- scband reference (transcript-rebuilt; emitter-appended) ---
"""Pipeline reference for scband-embeddings-62740882260771 (READ-ONLY COPY).

The authoritative reference and input builder live on the scoring server;
editing this copy changes nothing except your own understanding.
"""

import jax, jax.numpy as jnp
import numpy as np

VOCAB = 100000
D_MODEL = 1024
B = 4
S = 2048


def setup_inputs(seed: int = 0) -> dict:
    key = jax.random.key(seed)
    k1, k2 = jax.random.split(key)
    inputs = jax.random.randint(k1, (B, S), 0, VOCAB)
    # embedding table (learned parameter); torch nn.Embedding with padding_idx=0
    # zeroes row 0 at init, so we zero it here too.
    weight = jax.random.normal(k2, (VOCAB, D_MODEL), dtype=jnp.float32)
    weight = weight.at[0].set(0.0)
    return {"inputs": inputs, "weight": weight}


def reference(inputs, weight):
    # nn.Embedding forward: gather rows of the table, with padding_idx=0 row forced to zero
    emb_table = weight.at[0].set(0.0)
    return jnp.take(emb_table, inputs, axis=0)

if __name__ == "__main__":
    import jax
    _d = setup_inputs()
    print(jax.jit(kernel)(*tuple(_d.values())))

</pallas_src>

<mosaic_0001>
#map = affine_map<(d0, d1) -> (0, 0)>
#map1 = affine_map<(d0, d1) -> (0, 0, 0)>
module attributes {stable_mosaic.version = 14 : i64} {
  func.func @_emb_gather(%arg0: i32, %arg1: i32, %arg2: memref<4x2048xi32, #tpu.memory_space<hbm>>, %arg3: memref<100000x1024xf32, #tpu.memory_space<hbm>>, %arg4: memref<4x2048x1024xf32, #tpu.memory_space<hbm>>, %arg5: memref<256xi32, #tpu.memory_space<vmem>>, %arg6: memref<16x1024xf32, #tpu.memory_space<vmem>>, %arg7: memref<16x1024xf32, #tpu.memory_space<vmem>>, %arg8: memref<16x1024xf32, #tpu.memory_space<vmem>>, %arg9: memref<16x1024xf32, #tpu.memory_space<vmem>>, %arg10: memref<16x1024xf32, #tpu.memory_space<vmem>>, %arg11: memref<16x1024xf32, #tpu.memory_space<vmem>>, %arg12: memref<16x1024xf32, #tpu.memory_space<vmem>>, %arg13: memref<!tpu.dma_semaphore, #tpu.memory_space<semaphore_mem>>, %arg14: memref<!tpu.dma_semaphore, #tpu.memory_space<semaphore_mem>>, %arg15: memref<!tpu.dma_semaphore, #tpu.memory_space<semaphore_mem>>, %arg16: memref<!tpu.dma_semaphore, #tpu.memory_space<semaphore_mem>>, %arg17: memref<!tpu.dma_semaphore, #tpu.memory_space<semaphore_mem>>, %arg18: memref<!tpu.dma_semaphore, #tpu.memory_space<semaphore_mem>>, %arg19: memref<!tpu.dma_semaphore, #tpu.memory_space<semaphore_mem>>, %arg20: memref<!tpu.dma_semaphore, #tpu.memory_space<semaphore_mem>>, %arg21: memref<!tpu.dma_semaphore, #tpu.memory_space<semaphore_mem>>, %arg22: memref<!tpu.dma_semaphore, #tpu.memory_space<semaphore_mem>>, %arg23: memref<!tpu.dma_semaphore, #tpu.memory_space<semaphore_mem>>, %arg24: memref<!tpu.dma_semaphore, #tpu.memory_space<semaphore_mem>>, %arg25: memref<!tpu.dma_semaphore, #tpu.memory_space<semaphore_mem>>, %arg26: memref<!tpu.dma_semaphore, #tpu.memory_space<semaphore_mem>>) attributes {dimension_semantics = [#tpu.dimension_semantics<core_parallel>, #tpu.dimension_semantics<subcore_parallel>], iteration_bounds = array<i64: 2, 16>, scalar_prefetch = 0 : i64, scratch_operands = 22 : i64, tpu.core_type = #tpu.core_type<sc_vector_subcore>, window_params = [{transform_indices = #map}, {transform_indices = #map}, {transform_indices = #map1}]} {
    %mul3A = arith.constant 2 : i32
    %mul3A_0 = arith.muli %arg1, %mul3A : i32
    %add3A = arith.addi %mul3A_0, %arg0 : i32
    %jit3A = arith.constant 8 : i32
    %div3A = arith.divsi %add3A, %jit3A : i32
    %sign3A = arith.constant 0 : i32
    %sign3A_1 = arith.cmpi sgt, %add3A, %sign3A : i32
    %sign3A_2 = arith.extui %sign3A_1 : i1 to i32
    %sign3A_3 = arith.constant 0 : i32
    %sign3A_4 = arith.cmpi slt, %add3A, %sign3A_3 : i32
    %sign3A_5 = arith.extui %sign3A_4 : i1 to i32
    %sign3A_6 = arith.subi %sign3A_2, %sign3A_5 : i32
    %sign3A_7 = arith.constant 0 : i32
    %sign3A_8 = arith.cmpi sgt, %jit3A, %sign3A_7 : i32
    %sign3A_9 = arith.extui %sign3A_8 : i1 to i32
    %sign3A_10 = arith.constant 0 : i32
    %sign3A_11 = arith.cmpi slt, %jit3A, %sign3A_10 : i32
    %sign3A_12 = arith.extui %sign3A_11 : i1 to i32
    %sign3A_13 = arith.subi %sign3A_9, %sign3A_12 : i32
    %ne3A = arith.cmpi ne, %sign3A_6, %sign3A_13 : i32
    %rem3A = arith.remsi %add3A, %jit3A : i32
    %ne3A_14 = arith.constant 0 : i32
    %ne3A_15 = arith.cmpi ne, %rem3A, %ne3A_14 : i32
    %and3A = arith.andi %ne3A, %ne3A_15 : i1
    %sub3A = arith.constant 1 : i32
    %sub3A_16 = arith.subi %div3A, %sub3A : i32
    %select_n3A = arith.select %and3A, %sub3A_16, %div3A : i32
    %jit3A_17 = arith.constant 8 : i32
    %eq3A = arith.constant 0 : i32
    %eq3A_18 = arith.cmpi eq, %jit3A_17, %eq3A : i32
    %jit3A_19 = arith.constant 1 : i32
    %select_n3A_20 = arith.select %eq3A_18, %jit3A_19, %jit3A_17 : i32
    %rem3A_21 = arith.remsi %add3A, %select_n3A_20 : i32
    %ne3A_22 = arith.constant 0 : i32
    %ne3A_23 = arith.cmpi ne, %rem3A_21, %ne3A_22 : i32
    %lt3A = arith.constant 0 : i32
    %lt3A_24 = arith.cmpi slt, %rem3A_21, %lt3A : i32
    %lt3A_25 = arith.constant 0 : i32
    %lt3A_26 = arith.cmpi slt, %select_n3A_20, %lt3A_25 : i32
    %ne3A_27 = arith.xori %lt3A_24, %lt3A_26 : i1
    %and3A_28 = arith.andi %ne3A_27, %ne3A_23 : i1
    %add3A_29 = arith.addi %rem3A_21, %select_n3A_20 : i32
    %select_n3A_30 = arith.select %and3A_28, %add3A_29, %rem3A_21 : i32
    %mul3A_31 = arith.constant 256 : i32
    %mul3A_32 = arith.muli %select_n3A_30, %mul3A_31 : i32
    "tpu.region"() ({
      %run_scoped3A = tpu.sem_alloc : memref<!tpu.dma_semaphore, #tpu.memory_space<semaphore_mem>>
      %dma_start3A_415 = tpu.memref_slice %arg2[%select_n3A, %mul3A_32] : memref<4x2048xi32, #tpu.memory_space<hbm>> -> memref<1x256xi32, #tpu.memory_space<hbm>>
      %dma_start3A_416 = tpu.memref_squeeze %dma_start3A_415 : memref<1x256xi32, #tpu.memory_space<hbm>> -> memref<256xi32, #tpu.memory_space<hbm>>
      %dma_start3A_417 = tpu.memref_slice %arg2[%select_n3A, %mul3A_32] : memref<4x2048xi32, #tpu.memory_space<hbm>> -> memref<1x256xi32, #tpu.memory_space<hbm>>
      %dma_start3A_418 = tpu.memref_squeeze %dma_start3A_417 : memref<1x256xi32, #tpu.memory_space<hbm>> -> memref<256xi32, #tpu.memory_space<hbm>>
      tpu.enqueue_dma source(%dma_start3A_418 : memref<256xi32, #tpu.memory_space<hbm>>) target(%arg5 : memref<256xi32, #tpu.memory_space<vmem>>) target_semaphore(%run_scoped3A : memref<!tpu.dma_semaphore, #tpu.memory_space<semaphore_mem>>)
      %dma_wait3A_419 = tpu.memref_slice %arg2[%select_n3A, %mul3A_32] : memref<4x2048xi32, #tpu.memory_space<hbm>> -> memref<1x256xi32, #tpu.memory_space<hbm>>
      %dma_wait3A_420 = tpu.memref_squeeze %dma_wait3A_419 : memref<1x256xi32, #tpu.memory_space<hbm>> -> memref<256xi32, #tpu.memory_space<hbm>>
      %dma_wait3A_421 = tpu.memref_slice %arg2[%select_n3A, %mul3A_32] : memref<4x2048xi32, #tpu.memory_space<hbm>> -> memref<1x256xi32, #tpu.memory_space<hbm>>
      %dma_wait3A_422 = tpu.memref_squeeze %dma_wait3A_421 : memref<1x256xi32, #tpu.memory_space<hbm>> -> memref<256xi32, #tpu.memory_space<hbm>>
      tpu.wait_dma2 semaphore(%run_scoped3A : memref<!tpu.dma_semaphore, #tpu.memory_space<semaphore_mem>>) src(%dma_wait3A_422 : memref<256xi32, #tpu.memory_space<hbm>>) dst(%arg5 : memref<256xi32, #tpu.memory_space<vmem>>)
      tpu.yield
    }) : () -> ()
    %dma_start3A = arith.constant 0 : i32
    %dma_start3A_33 = tpu.memref_slice %arg5[%dma_start3A] : memref<256xi32, #tpu.memory_space<vmem>> -> memref<16xi32, #tpu.memory_space<vmem>>
    %dma_start3A_34 = arith.constant 0 : i32
    %dma_start3A_35 = arith.constant 0 : i32
    %dma_start3A_36 = tpu.memref_slice %arg3[%dma_start3A_34, %dma_start3A_35] : memref<100000x1024xf32, #tpu.memory_space<hbm>> -> memref<100000x1024xf32, #tpu.memory_space<hbm>>
    tpu.enqueue_indirect_dma source(%dma_start3A_36 : memref<100000x1024xf32, #tpu.memory_space<hbm>>) target(%arg6 : memref<16x1024xf32, #tpu.memory_space<vmem>>) offsets(%dma_start3A_33 : memref<16xi32, #tpu.memory_space<vmem>>) semaphore(%arg13 : memref<!tpu.dma_semaphore, #tpu.memory_space<semaphore_mem>>)
    %dma_start3A_37 = arith.constant 16 : i32
    %dma_start3A_38 = tpu.memref_slice %arg5[%dma_start3A_37] : memref<256xi32, #tpu.memory_space<vmem>> -> memref<16xi32, #tpu.memory_space<vmem>>
    %dma_start3A_39 = arith.constant 0 : i32
    %dma_start3A_40 = arith.constant 0 : i32
    %dma_start3A_41 = tpu.memref_slice %arg3[%dma_start3A_39, %dma_start3A_40] : memref<100000x1024xf32, #tpu.memory_space<hbm>> -> memref<100000x1024xf32, #tpu.memory_space<hbm>>
    tpu.enqueue_indirect_dma source(%dma_start3A_41 : memref<100000x1024xf32, #tpu.memory_space<hbm>>) target(%arg7 : memref<16x1024xf32, #tpu.memory_space<vmem>>) offsets(%dma_start3A_38 : memref<16xi32, #tpu.memory_space<vmem>>) semaphore(%arg14 : memref<!tpu.dma_semaphore, #tpu.memory_space<semaphore_mem>>)
    %dma_start3A_42 = arith.constant 32 : i32
    %dma_start3A_43 = tpu.memref_slice %arg5[%dma_start3A_42] : memref<256xi32, #tpu.memory_space<vmem>> -> memref<16xi32, #tpu.memory_space<vmem>>
    %dma_start3A_44 = arith.constant 0 : i32
    %dma_start3A_45 = arith.constant 0 : i32
    %dma_start3A_46 = tpu.memref_slice %arg3[%dma_start3A_44, %dma_start3A_45] : memref<100000x1024xf32, #tpu.memory_space<hbm>> -> memref<100000x1024xf32, #tpu.memory_space<hbm>>
    tpu.enqueue_indirect_dma source(%dma_start3A_46 : memref<100000x1024xf32, #tpu.memory_space<hbm>>) target(%arg8 : memref<16x1024xf32, #tpu.memory_space<vmem>>) offsets(%dma_start3A_43 : memref<16xi32, #tpu.memory_space<vmem>>) semaphore(%arg15 : memref<!tpu.dma_semaphore, #tpu.memory_space<semaphore_mem>>)
    %dma_start3A_47 = arith.constant 48 : i32
    %dma_start3A_48 = tpu.memref_slice %arg5[%dma_start3A_47] : memref<256xi32, #tpu.memory_space<vmem>> -> memref<16xi32, #tpu.memory_space<vmem>>
    %dma_start3A_49 = arith.constant 0 : i32
    %dma_start3A_50 = arith.constant 0 : i32
    %dma_start3A_51 = tpu.memref_slice %arg3[%dma_start3A_49, %dma_start3A_50] : memref<100000x1024xf32, #tpu.memory_space<hbm>> -> memref<100000x1024xf32, #tpu.memory_space<hbm>>
    tpu.enqueue_indirect_dma source(%dma_start3A_51 : memref<100000x1024xf32, #tpu.memory_space<hbm>>) target(%arg9 : memref<16x1024xf32, #tpu.memory_space<vmem>>) offsets(%dma_start3A_48 : memref<16xi32, #tpu.memory_space<vmem>>) semaphore(%arg16 : memref<!tpu.dma_semaphore, #tpu.memory_space<semaphore_mem>>)
    %dma_start3A_52 = arith.constant 64 : i32
    %dma_start3A_53 = tpu.memref_slice %arg5[%dma_start3A_52] : memref<256xi32, #tpu.memory_space<vmem>> -> memref<16xi32, #tpu.memory_space<vmem>>
    %dma_start3A_54 = arith.constant 0 : i32
    %dma_start3A_55 = arith.constant 0 : i32
    %dma_start3A_56 = tpu.memref_slice %arg3[%dma_start3A_54, %dma_start3A_55] : memref<100000x1024xf32, #tpu.memory_space<hbm>> -> memref<100000x1024xf32, #tpu.memory_space<hbm>>
    tpu.enqueue_indirect_dma source(%dma_start3A_56 : memref<100000x1024xf32, #tpu.memory_space<hbm>>) target(%arg10 : memref<16x1024xf32, #tpu.memory_space<vmem>>) offsets(%dma_start3A_53 : memref<16xi32, #tpu.memory_space<vmem>>) semaphore(%arg17 : memref<!tpu.dma_semaphore, #tpu.memory_space<semaphore_mem>>)
    %dma_start3A_57 = arith.constant 80 : i32
    %dma_start3A_58 = tpu.memref_slice %arg5[%dma_start3A_57] : memref<256xi32, #tpu.memory_space<vmem>> -> memref<16xi32, #tpu.memory_space<vmem>>
    %dma_start3A_59 = arith.constant 0 : i32
    %dma_start3A_60 = arith.constant 0 : i32
    %dma_start3A_61 = tpu.memref_slice %arg3[%dma_start3A_59, %dma_start3A_60] : memref<100000x1024xf32, #tpu.memory_space<hbm>> -> memref<100000x1024xf32, #tpu.memory_space<hbm>>
    tpu.enqueue_indirect_dma source(%dma_start3A_61 : memref<100000x1024xf32, #tpu.memory_space<hbm>>) target(%arg11 : memref<16x1024xf32, #tpu.memory_space<vmem>>) offsets(%dma_start3A_58 : memref<16xi32, #tpu.memory_space<vmem>>) semaphore(%arg18 : memref<!tpu.dma_semaphore, #tpu.memory_space<semaphore_mem>>)
    %dma_start3A_62 = arith.constant 96 : i32
    %dma_start3A_63 = tpu.memref_slice %arg5[%dma_start3A_62] : memref<256xi32, #tpu.memory_space<vmem>> -> memref<16xi32, #tpu.memory_space<vmem>>
    %dma_start3A_64 = arith.constant 0 : i32
    %dma_start3A_65 = arith.constant 0 : i32
    %dma_start3A_66 = tpu.memref_slice %arg3[%dma_start3A_64, %dma_start3A_65] : memref<100000x1024xf32, #tpu.memory_space<hbm>> -> memref<100000x1024xf32, #tpu.memory_space<hbm>>
    tpu.enqueue_indirect_dma source(%dma_start3A_66 : memref<100000x1024xf32, #tpu.memory_space<hbm>>) target(%arg12 : memref<16x1024xf32, #tpu.memory_space<vmem>>) offsets(%dma_start3A_63 : memref<16xi32, #tpu.memory_space<vmem>>) semaphore(%arg19 : memref<!tpu.dma_semaphore, #tpu.memory_space<semaphore_mem>>)
    %dma_wait3A = arith.constant 0 : i32
    %dma_wait3A_67 = tpu.memref_slice %arg5[%dma_wait3A] : memref<256xi32, #tpu.memory_space<vmem>> -> memref<16xi32, #tpu.memory_space<vmem>>
    %dma_wait3A_68 = arith.constant 0 : i32
    %dma_wait3A_69 = arith.constant 0 : i32
    %dma_wait3A_70 = tpu.memref_slice %arg3[%dma_wait3A_68, %dma_wait3A_69] : memref<100000x1024xf32, #tpu.memory_space<hbm>> -> memref<100000x1024xf32, #tpu.memory_space<hbm>>
    tpu.wait_indirect_dma semaphore(%arg13 : memref<!tpu.dma_semaphore, #tpu.memory_space<semaphore_mem>>) src(%dma_wait3A_70 : memref<100000x1024xf32, #tpu.memory_space<hbm>>) dst(%arg6 : memref<16x1024xf32, #tpu.memory_space<vmem>>)
    %add3A_71 = arith.constant 0 : i32
    %add3A_72 = arith.addi %mul3A_32, %add3A_71 : i32
    %dma_start3A_73 = arith.constant 0 : i32
    %dma_start3A_74 = tpu.memref_slice %arg4[%select_n3A, %add3A_72, %dma_start3A_73] : memref<4x2048x1024xf32, #tpu.memory_space<hbm>> -> memref<1x16x1024xf32, #tpu.memory_space<hbm>>
    %dma_start3A_75 = tpu.memref_squeeze %dma_start3A_74 : memref<1x16x1024xf32, #tpu.memory_space<hbm>> -> memref<16x1024xf32, #tpu.memory_space<hbm>>
    %dma_start3A_76 = arith.constant 0 : i32
    %dma_start3A_77 = tpu.memref_slice %arg4[%select_n3A, %add3A_72, %dma_start3A_76] : memref<4x2048x1024xf32, #tpu.memory_space<hbm>> -> memref<1x16x1024xf32, #tpu.memory_space<hbm>>
    %dma_start3A_78 = tpu.memref_squeeze %dma_start3A_77 : memref<1x16x1024xf32, #tpu.memory_space<hbm>> -> memref<16x1024xf32, #tpu.memory_space<hbm>>
    tpu.enqueue_dma source(%arg6 : memref<16x1024xf32, #tpu.memory_space<vmem>>) target(%dma_start3A_78 : memref<16x1024xf32, #tpu.memory_space<hbm>>) target_semaphore(%arg20 : memref<!tpu.dma_semaphore, #tpu.memory_space<semaphore_mem>>)
    %dma_wait3A_79 = arith.constant 16 : i32
    %dma_wait3A_80 = tpu.memref_slice %arg5[%dma_wait3A_79] : memref<256xi32, #tpu.memory_space<vmem>> -> memref<16xi32, #tpu.memory_space<vmem>>
    %dma_wait3A_81 = arith.constant 0 : i32
    %dma_wait3A_82 = arith.constant 0 : i32
    %dma_wait3A_83 = tpu.memref_slice %arg3[%dma_wait3A_81, %dma_wait3A_82] : memref<100000x1024xf32, #tpu.memory_space<hbm>> -> memref<100000x1024xf32, #tpu.memory_space<hbm>>
    tpu.wait_indirect_dma semaphore(%arg14 : memref<!tpu.dma_semaphore, #tpu.memory_space<semaphore_mem>>) src(%dma_wait3A_83 : memref<100000x1024xf32, #tpu.memory_space<hbm>>) dst(%arg7 : memref<16x1024xf32, #tpu.memory_space<vmem>>)
    %add3A_84 = arith.constant 16 : i32
    %add3A_85 = arith.addi %mul3A_32, %add3A_84 : i32
    %dma_start3A_86 = arith.constant 0 : i32
    %dma_start3A_87 = tpu.memref_slice %arg4[%select_n3A, %add3A_85, %dma_start3A_86] : memref<4x2048x1024xf32, #tpu.memory_space<hbm>> -> memref<1x16x1024xf32, #tpu.memory_space<hbm>>
    %dma_start3A_88 = tpu.memref_squeeze %dma_start3A_87 : memref<1x16x1024xf32, #tpu.memory_space<hbm>> -> memref<16x1024xf32, #tpu.memory_space<hbm>>
    %dma_start3A_89 = arith.constant 0 : i32
    %dma_start3A_90 = tpu.memref_slice %arg4[%select_n3A, %add3A_85, %dma_start3A_89] : memref<4x2048x1024xf32, #tpu.memory_space<hbm>> -> memref<1x16x1024xf32, #tpu.memory_space<hbm>>
    %dma_start3A_91 = tpu.memref_squeeze %dma_start3A_90 : memref<1x16x1024xf32, #tpu.memory_space<hbm>> -> memref<16x1024xf32, #tpu.memory_space<hbm>>
    tpu.enqueue_dma source(%arg7 : memref<16x1024xf32, #tpu.memory_space<vmem>>) target(%dma_start3A_91 : memref<16x1024xf32, #tpu.memory_space<hbm>>) target_semaphore(%arg21 : memref<!tpu.dma_semaphore, #tpu.memory_space<semaphore_mem>>)
    %dma_wait3A_92 = arith.constant 32 : i32
    %dma_wait3A_93 = tpu.memref_slice %arg5[%dma_wait3A_92] : memref<256xi32, #tpu.memory_space<vmem>> -> memref<16xi32, #tpu.memory_space<vmem>>
    %dma_wait3A_94 = arith.constant 0 : i32
    %dma_wait3A_95 = arith.constant 0 : i32
    %dma_wait3A_96 = tpu.memref_slice %arg3[%dma_wait3A_94, %dma_wait3A_95] : memref<100000x1024xf32, #tpu.memory_space<hbm>> -> memref<100000x1024xf32, #tpu.memory_space<hbm>>
    tpu.wait_indirect_dma semaphore(%arg15 : memref<!tpu.dma_semaphore, #tpu.memory_space<semaphore_mem>>) src(%dma_wait3A_96 : memref<100000x1024xf32, #tpu.memory_space<hbm>>) dst(%arg8 : memref<16x1024xf32, #tpu.memory_space<vmem>>)
    %add3A_97 = arith.constant 32 : i32
    %add3A_98 = arith.addi %mul3A_32, %add3A_97 : i32
    %dma_start3A_99 = arith.constant 0 : i32
    %dma_start3A_100 = tpu.memref_slice %arg4[%select_n3A, %add3A_98, %dma_start3A_99] : memref<4x2048x1024xf32, #tpu.memory_space<hbm>> -> memref<1x16x1024xf32, #tpu.memory_space<hbm>>
    %dma_start3A_101 = tpu.memref_squeeze %dma_start3A_100 : memref<1x16x1024xf32, #tpu.memory_space<hbm>> -> memref<16x1024xf32, #tpu.memory_space<hbm>>
    %dma_start3A_102 = arith.constant 0 : i32
    %dma_start3A_103 = tpu.memref_slice %arg4[%select_n3A, %add3A_98, %dma_start3A_102] : memref<4x2048x1024xf32, #tpu.memory_space<hbm>> -> memref<1x16x1024xf32, #tpu.memory_space<hbm>>
    %dma_start3A_104 = tpu.memref_squeeze %dma_start3A_103 : memref<1x16x1024xf32, #tpu.memory_space<hbm>> -> memref<16x1024xf32, #tpu.memory_space<hbm>>
    tpu.enqueue_dma source(%arg8 : memref<16x1024xf32, #tpu.memory_space<vmem>>) target(%dma_start3A_104 : memref<16x1024xf32, #tpu.memory_space<hbm>>) target_semaphore(%arg22 : memref<!tpu.dma_semaphore, #tpu.memory_space<semaphore_mem>>)
    %dma_wait3A_105 = arith.constant 0 : i32
    %dma_wait3A_106 = tpu.memref_slice %arg4[%select_n3A, %add3A_72, %dma_wait3A_105] : memref<4x2048x1024xf32, #tpu.memory_space<hbm>> -> memref<1x16x1024xf32, #tpu.memory_space<hbm>>
    %dma_wait3A_107 = tpu.memref_squeeze %dma_wait3A_106 : memref<1x16x1024xf32, #tpu.memory_space<hbm>> -> memref<16x1024xf32, #tpu.memory_space<hbm>>
    %dma_wait3A_108 = arith.constant 0 : i32
    %dma_wait3A_109 = tpu.memref_slice %arg4[%select_n3A, %add3A_72, %dma_wait3A_108] : memref<4x2048x1024xf32, #tpu.memory_space<hbm>> -> memref<1x16x1024xf32, #tpu.memory_space<hbm>>
    %dma_wait3A_110 = tpu.memref_squeeze %dma_wait3A_109 : memref<1x16x1024xf32, #tpu.memory_space<hbm>> -> memref<16x1024xf32, #tpu.memory_space<hbm>>
    tpu.wait_dma2 semaphore(%arg20 : memref<!tpu.dma_semaphore, #tpu.memory_space<semaphore_mem>>) src(%arg6 : memref<16x1024xf32, #tpu.memory_space<vmem>>) dst(%dma_wait3A_110 : memref<16x1024xf32, #tpu.memory_space<hbm>>)
    %dma_start3A_111 = arith.constant 112 : i32
    %dma_start3A_112 = tpu.memref_slice %arg5[%dma_start3A_111] : memref<256xi32, #tpu.memory_space<vmem>> -> memref<16xi32, #tpu.memory_space<vmem>>
    %dma_start3A_113 = arith.constant 0 : i32
    %dma_start3A_114 = arith.constant 0 : i32
    %dma_start3A_115 = tpu.memref_slice %arg3[%dma_start3A_113, %dma_start3A_114] : memref<100000x1024xf32, #tpu.memory_space<hbm>> -> memref<100000x1024xf32, #tpu.memory_space<hbm>>
    tpu.enqueue_indirect_dma source(%dma_start3A_115 : memref<100000x1024xf32, #tpu.memory_space<hbm>>) target(%arg6 : memref<16x1024xf32, #tpu.memory_space<vmem>>) offsets(%dma_start3A_112 : memref<16xi32, #tpu.memory_space<vmem>>) semaphore(%arg13 : memref<!tpu.dma_semaphore, #tpu.memory_space<semaphore_mem>>)
    %dma_wait3A_116 = arith.constant 48 : i32
    %dma_wait3A_117 = tpu.memref_slice %arg5[%dma_wait3A_116] : memref<256xi32, #tpu.memory_space<vmem>> -> memref<16xi32, #tpu.memory_space<vmem>>
    %dma_wait3A_118 = arith.constant 0 : i32
    %dma_wait3A_119 = arith.constant 0 : i32
    %dma_wait3A_120 = tpu.memref_slice %arg3[%dma_wait3A_118, %dma_wait3A_119] : memref<100000x1024xf32, #tpu.memory_space<hbm>> -> memref<100000x1024xf32, #tpu.memory_space<hbm>>
    tpu.wait_indirect_dma semaphore(%arg16 : memref<!tpu.dma_semaphore, #tpu.memory_space<semaphore_mem>>) src(%dma_wait3A_120 : memref<100000x1024xf32, #tpu.memory_space<hbm>>) dst(%arg9 : memref<16x1024xf32, #tpu.memory_space<vmem>>)
    %add3A_121 = arith.constant 48 : i32
    %add3A_122 = arith.addi %mul3A_32, %add3A_121 : i32
    %dma_start3A_123 = arith.constant 0 : i32
    %dma_start3A_124 = tpu.memref_slice %arg4[%select_n3A, %add3A_122, %dma_start3A_123] : memref<4x2048x1024xf32, #tpu.memory_space<hbm>> -> memref<1x16x1024xf32, #tpu.memory_space<hbm>>
    %dma_start3A_125 = tpu.memref_squeeze %dma_start3A_124 : memref<1x16x1024xf32, #tpu.memory_space<hbm>> -> memref<16x1024xf32, #tpu.memory_space<hbm>>
    %dma_start3A_126 = arith.constant 0 : i32
    %dma_start3A_127 = tpu.memref_slice %arg4[%select_n3A, %add3A_122, %dma_start3A_126] : memref<4x2048x1024xf32, #tpu.memory_space<hbm>> -> memref<1x16x1024xf32, #tpu.memory_space<hbm>>
    %dma_start3A_128 = tpu.memref_squeeze %dma_start3A_127 : memref<1x16x1024xf32, #tpu.memory_space<hbm>> -> memref<16x1024xf32, #tpu.memory_space<hbm>>
    tpu.enqueue_dma source(%arg9 : memref<16x1024xf32, #tpu.memory_space<vmem>>) target(%dma_start3A_128 : memref<16x1024xf32, #tpu.memory_space<hbm>>) target_semaphore(%arg23 : memref<!tpu.dma_semaphore, #tpu.memory_space<semaphore_mem>>)
    %dma_wait3A_129 = arith.constant 0 : i32
    %dma_wait3A_130 = tpu.memref_slice %arg4[%select_n3A, %add3A_85, %dma_wait3A_129] : memref<4x2048x1024xf32, #tpu.memory_space<hbm>> -> memref<1x16x1024xf32, #tpu.memory_space<hbm>>
    %dma_wait3A_131 = tpu.memref_squeeze %dma_wait3A_130 : memref<1x16x1024xf32, #tpu.memory_space<hbm>> -> memref<16x1024xf32, #tpu.memory_space<hbm>>
    %dma_wait3A_132 = arith.constant 0 : i32
    %dma_wait3A_133 = tpu.memref_slice %arg4[%select_n3A, %add3A_85, %dma_wait3A_132] : memref<4x2048x1024xf32, #tpu.memory_space<hbm>> -> memref<1x16x1024xf32, #tpu.memory_space<hbm>>
    %dma_wait3A_134 = tpu.memref_squeeze %dma_wait3A_133 : memref<1x16x1024xf32, #tpu.memory_space<hbm>> -> memref<16x1024xf32, #tpu.memory_space<hbm>>
    tpu.wait_dma2 semaphore(%arg21 : memref<!tpu.dma_semaphore, #tpu.memory_space<semaphore_mem>>) src(%arg7 : memref<16x1024xf32, #tpu.memory_space<vmem>>) dst(%dma_wait3A_134 : memref<16x1024xf32, #tpu.memory_space<hbm>>)
    %dma_start3A_135 = arith.constant 128 : i32
    %dma_start3A_136 = tpu.memref_slice %arg5[%dma_start3A_135] : memref<256xi32, #tpu.memory_space<vmem>> -> memref<16xi32, #tpu.memory_space<vmem>>
    %dma_start3A_137 = arith.constant 0 : i32
    %dma_start3A_138 = arith.constant 0 : i32
    %dma_start3A_139 = tpu.memref_slice %arg3[%dma_start3A_137, %dma_start3A_138] : memref<100000x1024xf32, #tpu.memory_space<hbm>> -> memref<100000x1024xf32, #tpu.memory_space<hbm>>
    tpu.enqueue_indirect_dma source(%dma_start3A_139 : memref<100000x1024xf32, #tpu.memory_space<hbm>>) target(%arg7 : memref<16x1024xf32, #tpu.memory_space<vmem>>) offsets(%dma_start3A_136 : memref<16xi32, #tpu.memory_space<vmem>>) semaphore(%arg14 : memref<!tpu.dma_semaphore, #tpu.memory_space<semaphore_mem>>)
    %dma_wait3A_140 = arith.constant 64 : i32
    %dma_wait3A_141 = tpu.memref_slice %arg5[%dma_wait3A_140] : memref<256xi32, #tpu.memory_space<vmem>> -> memref<16xi32, #tpu.memory_space<vmem>>
    %dma_wait3A_142 = arith.constant 0 : i32
    %dma_wait3A_143 = arith.constant 0 : i32
    %dma_wait3A_144 = tpu.memref_slice %arg3[%dma_wait3A_142, %dma_wait3A_143] : memref<100000x1024xf32, #tpu.memory_space<hbm>> -> memref<100000x1024xf32, #tpu.memory_space<hbm>>
    tpu.wait_indirect_dma semaphore(%arg17 : memref<!tpu.dma_semaphore, #tpu.memory_space<semaphore_mem>>) src(%dma_wait3A_144 : memref<100000x1024xf32, #tpu.memory_space<hbm>>) dst(%arg10 : memref<16x1024xf32, #tpu.memory_space<vmem>>)
    %add3A_145 = arith.constant 64 : i32
    %add3A_146 = arith.addi %mul3A_32, %add3A_145 : i32
    %dma_start3A_147 = arith.constant 0 : i32
    %dma_start3A_148 = tpu.memref_slice %arg4[%select_n3A, %add3A_146, %dma_start3A_147] : memref<4x2048x1024xf32, #tpu.memory_space<hbm>> -> memref<1x16x1024xf32, #tpu.memory_space<hbm>>
    %dma_start3A_149 = tpu.memref_squeeze %dma_start3A_148 : memref<1x16x1024xf32, #tpu.memory_space<hbm>> -> memref<16x1024xf32, #tpu.memory_space<hbm>>
    %dma_start3A_150 = arith.constant 0 : i32
    %dma_start3A_151 = tpu.memref_slice %arg4[%select_n3A, %add3A_146, %dma_start3A_150] : memref<4x2048x1024xf32, #tpu.memory_space<hbm>> -> memref<1x16x1024xf32, #tpu.memory_space<hbm>>
    %dma_start3A_152 = tpu.memref_squeeze %dma_start3A_151 : memref<1x16x1024xf32, #tpu.memory_space<hbm>> -> memref<16x1024xf32, #tpu.memory_space<hbm>>
    tpu.enqueue_dma source(%arg10 : memref<16x1024xf32, #tpu.memory_space<vmem>>) target(%dma_start3A_152 : memref<16x1024xf32, #tpu.memory_space<hbm>>) target_semaphore(%arg24 : memref<!tpu.dma_semaphore, #tpu.memory_space<semaphore_mem>>)
    %dma_wait3A_153 = arith.constant 0 : i32
    %dma_wait3A_154 = tpu.memref_slice %arg4[%select_n3A, %add3A_98, %dma_wait3A_153] : memref<4x2048x1024xf32, #tpu.memory_space<hbm>> -> memref<1x16x1024xf32, #tpu.memory_space<hbm>>
    %dma_wait3A_155 = tpu.memref_squeeze %dma_wait3A_154 : memref<1x16x1024xf32, #tpu.memory_space<hbm>> -> memref<16x1024xf32, #tpu.memory_space<hbm>>
    %dma_wait3A_156 = arith.constant 0 : i32
    %dma_wait3A_157 = tpu.memref_slice %arg4[%select_n3A, %add3A_98, %dma_wait3A_156] : memref<4x2048x1024xf32, #tpu.memory_space<hbm>> -> memref<1x16x1024xf32, #tpu.memory_space<hbm>>
    %dma_wait3A_158 = tpu.memref_squeeze %dma_wait3A_157 : memref<1x16x1024xf32, #tpu.memory_space<hbm>> -> memref<16x1024xf32, #tpu.memory_space<hbm>>
    tpu.wait_dma2 semaphore(%arg22 : memref<!tpu.dma_semaphore, #tpu.memory_space<semaphore_mem>>) src(%arg8 : memref<16x1024xf32, #tpu.memory_space<vmem>>) dst(%dma_wait3A_158 : memref<16x1024xf32, #tpu.memory_space<hbm>>)
    %dma_start3A_159 = arith.constant 144 : i32
    %dma_start3A_160 = tpu.memref_slice %arg5[%dma_start3A_159] : memref<256xi32, #tpu.memory_space<vmem>> -> memref<16xi32, #tpu.memory_space<vmem>>
    %dma_start3A_161 = arith.constant 0 : i32
    %dma_start3A_162 = arith.constant 0 : i32
    %dma_start3A_163 = tpu.memref_slice %arg3[%dma_start3A_161, %dma_start3A_162] : memref<100000x1024xf32, #tpu.memory_space<hbm>> -> memref<100000x1024xf32, #tpu.memory_space<hbm>>
    tpu.enqueue_indirect_dma source(%dma_start3A_163 : memref<100000x1024xf32, #tpu.memory_space<hbm>>) target(%arg8 : memref<16x1024xf32, #tpu.memory_space<vmem>>) offsets(%dma_start3A_160 : memref<16xi32, #tpu.memory_space<vmem>>) semaphore(%arg15 : memref<!tpu.dma_semaphore, #tpu.memory_space<semaphore_mem>>)
    %dma_wait3A_164 = arith.constant 80 : i32
    %dma_wait3A_165 = tpu.memref_slice %arg5[%dma_wait3A_164] : memref<256xi32, #tpu.memory_space<vmem>> -> memref<16xi32, #tpu.memory_space<vmem>>
    %dma_wait3A_166 = arith.constant 0 : i32
    %dma_wait3A_167 = arith.constant 0 : i32
    %dma_wait3A_168 = tpu.memref_slice %arg3[%dma_wait3A_166, %dma_wait3A_167] : memref<100000x1024xf32, #tpu.memory_space<hbm>> -> memref<100000x1024xf32, #tpu.memory_space<hbm>>
    tpu.wait_indirect_dma semaphore(%arg18 : memref<!tpu.dma_semaphore, #tpu.memory_space<semaphore_mem>>) src(%dma_wait3A_168 : memref<100000x1024xf32, #tpu.memory_space<hbm>>) dst(%arg11 : memref<16x1024xf32, #tpu.memory_space<vmem>>)
    %add3A_169 = arith.constant 80 : i32
    %add3A_170 = arith.addi %mul3A_32, %add3A_169 : i32
    %dma_start3A_171 = arith.constant 0 : i32
    %dma_start3A_172 = tpu.memref_slice %arg4[%select_n3A, %add3A_170, %dma_start3A_171] : memref<4x2048x1024xf32, #tpu.memory_space<hbm>> -> memref<1x16x1024xf32, #tpu.memory_space<hbm>>
    %dma_start3A_173 = tpu.memref_squeeze %dma_start3A_172 : memref<1x16x1024xf32, #tpu.memory_space<hbm>> -> memref<16x1024xf32, #tpu.memory_space<hbm>>
    %dma_start3A_174 = arith.constant 0 : i32
    %dma_start3A_175 = tpu.memref_slice %arg4[%select_n3A, %add3A_170, %dma_start3A_174] : memref<4x2048x1024xf32, #tpu.memory_space<hbm>> -> memref<1x16x1024xf32, #tpu.memory_space<hbm>>
    %dma_start3A_176 = tpu.memref_squeeze %dma_start3A_175 : memref<1x16x1024xf32, #tpu.memory_space<hbm>> -> memref<16x1024xf32, #tpu.memory_space<hbm>>
    tpu.enqueue_dma source(%arg11 : memref<16x1024xf32, #tpu.memory_space<vmem>>) target(%dma_start3A_176 : memref<16x1024xf32, #tpu.memory_space<hbm>>) target_semaphore(%arg25 : memref<!tpu.dma_semaphore, #tpu.memory_space<semaphore_mem>>)
    %dma_wait3A_177 = arith.constant 0 : i32
    %dma_wait3A_178 = tpu.memref_slice %arg4[%select_n3A, %add3A_122, %dma_wait3A_177] : memref<4x2048x1024xf32, #tpu.memory_space<hbm>> -> memref<1x16x1024xf32, #tpu.memory_space<hbm>>
    %dma_wait3A_179 = tpu.memref_squeeze %dma_wait3A_178 : memref<1x16x1024xf32, #tpu.memory_space<hbm>> -> memref<16x1024xf32, #tpu.memory_space<hbm>>
    %dma_wait3A_180 = arith.constant 0 : i32
    %dma_wait3A_181 = tpu.memref_slice %arg4[%select_n3A, %add3A_122, %dma_wait3A_180] : memref<4x2048x1024xf32, #tpu.memory_space<hbm>> -> memref<1x16x1024xf32, #tpu.memory_space<hbm>>
    %dma_wait3A_182 = tpu.memref_squeeze %dma_wait3A_181 : memref<1x16x1024xf32, #tpu.memory_space<hbm>> -> memref<16x1024xf32, #tpu.memory_space<hbm>>
    tpu.wait_dma2 semaphore(%arg23 : memref<!tpu.dma_semaphore, #tpu.memory_space<semaphore_mem>>) src(%arg9 : memref<16x1024xf32, #tpu.memory_space<vmem>>) dst(%dma_wait3A_182 : memref<16x1024xf32, #tpu.memory_space<hbm>>)
    %dma_start3A_183 = arith.constant 160 : i32
    %dma_start3A_184 = tpu.memref_slice %arg5[%dma_start3A_183] : memref<256xi32, #tpu.memory_space<vmem>> -> memref<16xi32, #tpu.memory_space<vmem>>
    %dma_start3A_185 = arith.constant 0 : i32
    %dma_start3A_186 = arith.constant 0 : i32
    %dma_start3A_187 = tpu.memref_slice %arg3[%dma_start3A_185, %dma_start3A_186] : memref<100000x1024xf32, #tpu.memory_space<hbm>> -> memref<100000x1024xf32, #tpu.memory_space<hbm>>
    tpu.enqueue_indirect_dma source(%dma_start3A_187 : memref<100000x1024xf32, #tpu.memory_space<hbm>>) target(%arg9 : memref<16x1024xf32, #tpu.memory_space<vmem>>) offsets(%dma_start3A_184 : memref<16xi32, #tpu.memory_space<vmem>>) semaphore(%arg16 : memref<!tpu.dma_semaphore, #tpu.memory_space<semaphore_mem>>)
    %dma_wait3A_188 = arith.constant 96 : i32
    %dma_wait3A_189 = tpu.memref_slice %arg5[%dma_wait3A_188] : memref<256xi32, #tpu.memory_space<vmem>> -> memref<16xi32, #tpu.memory_space<vmem>>
    %dma_wait3A_190 = arith.constant 0 : i32
    %dma_wait3A_191 = arith.constant 0 : i32
    %dma_wait3A_192 = tpu.memref_slice %arg3[%dma_wait3A_190, %dma_wait3A_191] : memref<100000x1024xf32, #tpu.memory_space<hbm>> -> memref<100000x1024xf32, #tpu.memory_space<hbm>>
    tpu.wait_indirect_dma semaphore(%arg19 : memref<!tpu.dma_semaphore, #tpu.memory_space<semaphore_mem>>) src(%dma_wait3A_192 : memref<100000x1024xf32, #tpu.memory_space<hbm>>) dst(%arg12 : memref<16x1024xf32, #tpu.memory_space<vmem>>)
    %add3A_193 = arith.constant 96 : i32
    %add3A_194 = arith.addi %mul3A_32, %add3A_193 : i32
    %dma_start3A_195 = arith.constant 0 : i32
    %dma_start3A_196 = tpu.memref_slice %arg4[%select_n3A, %add3A_194, %dma_start3A_195] : memref<4x2048x1024xf32, #tpu.memory_space<hbm>> -> memref<1x16x1024xf32, #tpu.memory_space<hbm>>
    %dma_start3A_197 = tpu.memref_squeeze %dma_start3A_196 : memref<1x16x1024xf32, #tpu.memory_space<hbm>> -> memref<16x1024xf32, #tpu.memory_space<hbm>>
    %dma_start3A_198 = arith.constant 0 : i32
    %dma_start3A_199 = tpu.memref_slice %arg4[%select_n3A, %add3A_194, %dma_start3A_198] : memref<4x2048x1024xf32, #tpu.memory_space<hbm>> -> memref<1x16x1024xf32, #tpu.memory_space<hbm>>
    %dma_start3A_200 = tpu.memref_squeeze %dma_start3A_199 : memref<1x16x1024xf32, #tpu.memory_space<hbm>> -> memref<16x1024xf32, #tpu.memory_space<hbm>>
    tpu.enqueue_dma source(%arg12 : memref<16x1024xf32, #tpu.memory_space<vmem>>) target(%dma_start3A_200 : memref<16x1024xf32, #tpu.memory_space<hbm>>) target_semaphore(%arg26 : memref<!tpu.dma_semaphore, #tpu.memory_space<semaphore_mem>>)
    %dma_wait3A_201 = arith.constant 0 : i32
    %dma_wait3A_202 = tpu.memref_slice %arg4[%select_n3A, %add3A_146, %dma_wait3A_201] : memref<4x2048x1024xf32, #tpu.memory_space<hbm>> -> memref<1x16x1024xf32, #tpu.memory_space<hbm>>
    %dma_wait3A_203 = tpu.memref_squeeze %dma_wait3A_202 : memref<1x16x1024xf32, #tpu.memory_space<hbm>> -> memref<16x1024xf32, #tpu.memory_space<hbm>>
    %dma_wait3A_204 = arith.constant 0 : i32
    %dma_wait3A_205 = tpu.memref_slice %arg4[%select_n3A, %add3A_146, %dma_wait3A_204] : memref<4x2048x1024xf32, #tpu.memory_space<hbm>> -> memref<1x16x1024xf32, #tpu.memory_space<hbm>>
    %dma_wait3A_206 = tpu.memref_squeeze %dma_wait3A_205 : memref<1x16x1024xf32, #tpu.memory_space<hbm>> -> memref<16x1024xf32, #tpu.memory_space<hbm>>
    tpu.wait_dma2 semaphore(%arg24 : memref<!tpu.dma_semaphore, #tpu.memory_space<semaphore_mem>>) src(%arg10 : memref<16x1024xf32, #tpu.memory_space<vmem>>) dst(%dma_wait3A_206 : memref<16x1024xf32, #tpu.memory_space<hbm>>)
    %dma_start3A_207 = arith.constant 176 : i32
    %dma_start3A_208 = tpu.memref_slice %arg5[%dma_start3A_207] : memref<256xi32, #tpu.memory_space<vmem>> -> memref<16xi32, #tpu.memory_space<vmem>>
    %dma_start3A_209 = arith.constant 0 : i32
    %dma_start3A_210 = arith.constant 0 : i32
    %dma_start3A_211 = tpu.memref_slice %arg3[%dma_start3A_209, %dma_start3A_210] : memref<100000x1024xf32, #tpu.memory_space<hbm>> -> memref<100000x1024xf32, #tpu.memory_space<hbm>>
    tpu.enqueue_indirect_dma source(%dma_start3A_211 : memref<100000x1024xf32, #tpu.memory_space<hbm>>) target(%arg10 : memref<16x1024xf32, #tpu.memory_space<vmem>>) offsets(%dma_start3A_208 : memref<16xi32, #tpu.memory_space<vmem>>) semaphore(%arg17 : memref<!tpu.dma_semaphore, #tpu.memory_space<semaphore_mem>>)
    %dma_wait3A_212 = arith.constant 112 : i32
    %dma_wait3A_213 = tpu.memref_slice %arg5[%dma_wait3A_212] : memref<256xi32, #tpu.memory_space<vmem>> -> memref<16xi32, #tpu.memory_space<vmem>>
    %dma_wait3A_214 = arith.constant 0 : i32
    %dma_wait3A_215 = arith.constant 0 : i32
    %dma_wait3A_216 = tpu.memref_slice %arg3[%dma_wait3A_214, %dma_wait3A_215] : memref<100000x1024xf32, #tpu.memory_space<hbm>> -> memref<100000x1024xf32, #tpu.memory_space<hbm>>
    tpu.wait_indirect_dma semaphore(%arg13 : memref<!tpu.dma_semaphore, #tpu.memory_space<semaphore_mem>>) src(%dma_wait3A_216 : memref<100000x1024xf32, #tpu.memory_space<hbm>>) dst(%arg6 : memref<16x1024xf32, #tpu.memory_space<vmem>>)
    %add3A_217 = arith.constant 112 : i32
    %add3A_218 = arith.addi %mul3A_32, %add3A_217 : i32
    %dma_start3A_219 = arith.constant 0 : i32
    %dma_start3A_220 = tpu.memref_slice %arg4[%select_n3A, %add3A_218, %dma_start3A_219] : memref<4x2048x1024xf32, #tpu.memory_space<hbm>> -> memref<1x16x1024xf32, #tpu.memory_space<hbm>>
    %dma_start3A_221 = tpu.memref_squeeze %dma_start3A_220 : memref<1x16x1024xf32, #tpu.memory_space<hbm>> -> memref<16x1024xf32, #tpu.memory_space<hbm>>
    %dma_start3A_222 = arith.constant 0 : i32
    %dma_start3A_223 = tpu.memref_slice %arg4[%select_n3A, %add3A_218, %dma_start3A_222] : memref<4x2048x1024xf32, #tpu.memory_space<hbm>> -> memref<1x16x1024xf32, #tpu.memory_space<hbm>>
    %dma_start3A_224 = tpu.memref_squeeze %dma_start3A_223 : memref<1x16x1024xf32, #tpu.memory_space<hbm>> -> memref<16x1024xf32, #tpu.memory_space<hbm>>
    tpu.enqueue_dma source(%arg6 : memref<16x1024xf32, #tpu.memory_space<vmem>>) target(%dma_start3A_224 : memref<16x1024xf32, #tpu.memory_space<hbm>>) target_semaphore(%arg20 : memref<!tpu.dma_semaphore, #tpu.memory_space<semaphore_mem>>)
    %dma_wait3A_225 = arith.constant 0 : i32
    %dma_wait3A_226 = tpu.memref_slice %arg4[%select_n3A, %add3A_170, %dma_wait3A_225] : memref<4x2048x1024xf32, #tpu.memory_space<hbm>> -> memref<1x16x1024xf32, #tpu.memory_space<hbm>>
    %dma_wait3A_227 = tpu.memref_squeeze %dma_wait3A_226 : memref<1x16x1024xf32, #tpu.memory_space<hbm>> -> memref<16x1024xf32, #tpu.memory_space<hbm>>
    %dma_wait3A_228 = arith.constant 0 : i32
    %dma_wait3A_229 = tpu.memref_slice %arg4[%select_n3A, %add3A_170, %dma_wait3A_228] : memref<4x2048x1024xf32, #tpu.memory_space<hbm>> -> memref<1x16x1024xf32, #tpu.memory_space<hbm>>
    %dma_wait3A_230 = tpu.memref_squeeze %dma_wait3A_229 : memref<1x16x1024xf32, #tpu.memory_space<hbm>> -> memref<16x1024xf32, #tpu.memory_space<hbm>>
    tpu.wait_dma2 semaphore(%arg25 : memref<!tpu.dma_semaphore, #tpu.memory_space<semaphore_mem>>) src(%arg11 : memref<16x1024xf32, #tpu.memory_space<vmem>>) dst(%dma_wait3A_230 : memref<16x1024xf32, #tpu.memory_space<hbm>>)
    %dma_start3A_231 = arith.constant 192 : i32
    %dma_start3A_232 = tpu.memref_slice %arg5[%dma_start3A_231] : memref<256xi32, #tpu.memory_space<vmem>> -> memref<16xi32, #tpu.memory_space<vmem>>
    %dma_start3A_233 = arith.constant 0 : i32
    %dma_start3A_234 = arith.constant 0 : i32
    %dma_start3A_235 = tpu.memref_slice %arg3[%dma_start3A_233, %dma_start3A_234] : memref<100000x1024xf32, #tpu.memory_space<hbm>> -> memref<100000x1024xf32, #tpu.memory_space<hbm>>
    tpu.enqueue_indirect_dma source(%dma_start3A_235 : memref<100000x1024xf32, #tpu.memory_space<hbm>>) target(%arg11 : memref<16x1024xf32, #tpu.memory_space<vmem>>) offsets(%dma_start3A_232 : memref<16xi32, #tpu.memory_space<vmem>>) semaphore(%arg18 : memref<!tpu.dma_semaphore, #tpu.memory_space<semaphore_mem>>)
    %dma_wait3A_236 = arith.constant 128 : i32
    %dma_wait3A_237 = tpu.memref_slice %arg5[%dma_wait3A_236] : memref<256xi32, #tpu.memory_space<vmem>> -> memref<16xi32, #tpu.memory_space<vmem>>
    %dma_wait3A_238 = arith.constant 0 : i32
    %dma_wait3A_239 = arith.constant 0 : i32
    %dma_wait3A_240 = tpu.memref_slice %arg3[%dma_wait3A_238, %dma_wait3A_239] : memref<100000x1024xf32, #tpu.memory_space<hbm>> -> memref<100000x1024xf32, #tpu.memory_space<hbm>>
    tpu.wait_indirect_dma semaphore(%arg14 : memref<!tpu.dma_semaphore, #tpu.memory_space<semaphore_mem>>) src(%dma_wait3A_240 : memref<100000x1024xf32, #tpu.memory_space<hbm>>) dst(%arg7 : memref<16x1024xf32, #tpu.memory_space<vmem>>)
    %add3A_241 = arith.constant 128 : i32
    %add3A_242 = arith.addi %mul3A_32, %add3A_241 : i32
    %dma_start3A_243 = arith.constant 0 : i32
    %dma_start3A_244 = tpu.memref_slice %arg4[%select_n3A, %add3A_242, %dma_start3A_243] : memref<4x2048x1024xf32, #tpu.memory_space<hbm>> -> memref<1x16x1024xf32, #tpu.memory_space<hbm>>
    %dma_start3A_245 = tpu.memref_squeeze %dma_start3A_244 : memref<1x16x1024xf32, #tpu.memory_space<hbm>> -> memref<16x1024xf32, #tpu.memory_space<hbm>>
    %dma_start3A_246 = arith.constant 0 : i32
    %dma_start3A_247 = tpu.memref_slice %arg4[%select_n3A, %add3A_242, %dma_start3A_246] : memref<4x2048x1024xf32, #tpu.memory_space<hbm>> -> memref<1x16x1024xf32, #tpu.memory_space<hbm>>
    %dma_start3A_248 = tpu.memref_squeeze %dma_start3A_247 : memref<1x16x1024xf32, #tpu.memory_space<hbm>> -> memref<16x1024xf32, #tpu.memory_space<hbm>>
    tpu.enqueue_dma source(%arg7 : memref<16x1024xf32, #tpu.memory_space<vmem>>) target(%dma_start3A_248 : memref<16x1024xf32, #tpu.memory_space<hbm>>) target_semaphore(%arg21 : memref<!tpu.dma_semaphore, #tpu.memory_space<semaphore_mem>>)
    %dma_wait3A_249 = arith.constant 0 : i32
    %dma_wait3A_250 = tpu.memref_slice %arg4[%select_n3A, %add3A_194, %dma_wait3A_249] : memref<4x2048x1024xf32, #tpu.memory_space<hbm>> -> memref<1x16x1024xf32, #tpu.memory_space<hbm>>
    %dma_wait3A_251 = tpu.memref_squeeze %dma_wait3A_250 : memref<1x16x1024xf32, #tpu.memory_space<hbm>> -> memref<16x1024xf32, #tpu.memory_space<hbm>>
    %dma_wait3A_252 = arith.constant 0 : i32
    %dma_wait3A_253 = tpu.memref_slice %arg4[%select_n3A, %add3A_194, %dma_wait3A_252] : memref<4x2048x1024xf32, #tpu.memory_space<hbm>> -> memref<1x16x1024xf32, #tpu.memory_space<hbm>>
    %dma_wait3A_254 = tpu.memref_squeeze %dma_wait3A_253 : memref<1x16x1024xf32, #tpu.memory_space<hbm>> -> memref<16x1024xf32, #tpu.memory_space<hbm>>
    tpu.wait_dma2 semaphore(%arg26 : memref<!tpu.dma_semaphore, #tpu.memory_space<semaphore_mem>>) src(%arg12 : memref<16x1024xf32, #tpu.memory_space<vmem>>) dst(%dma_wait3A_254 : memref<16x1024xf32, #tpu.memory_space<hbm>>)
    %dma_start3A_255 = arith.constant 208 : i32
    %dma_start3A_256 = tpu.memref_slice %arg5[%dma_start3A_255] : memref<256xi32, #tpu.memory_space<vmem>> -> memref<16xi32, #tpu.memory_space<vmem>>
    %dma_start3A_257 = arith.constant 0 : i32
    %dma_start3A_258 = arith.constant 0 : i32
    %dma_start3A_259 = tpu.memref_slice %arg3[%dma_start3A_257, %dma_start3A_258] : memref<100000x1024xf32, #tpu.memory_space<hbm>> -> memref<100000x1024xf32, #tpu.memory_space<hbm>>
    tpu.enqueue_indirect_dma source(%dma_start3A_259 : memref<100000x1024xf32, #tpu.memory_space<hbm>>) target(%arg12 : memref<16x1024xf32, #tpu.memory_space<vmem>>) offsets(%dma_start3A_256 : memref<16xi32, #tpu.memory_space<vmem>>) semaphore(%arg19 : memref<!tpu.dma_semaphore, #tpu.memory_space<semaphore_mem>>)
    %dma_wait3A_260 = arith.constant 144 : i32
    %dma_wait3A_261 = tpu.memref_slice %arg5[%dma_wait3A_260] : memref<256xi32, #tpu.memory_space<vmem>> -> memref<16xi32, #tpu.memory_space<vmem>>
    %dma_wait3A_262 = arith.constant 0 : i32
    %dma_wait3A_263 = arith.constant 0 : i32
    %dma_wait3A_264 = tpu.memref_slice %arg3[%dma_wait3A_262, %dma_wait3A_263] : memref<100000x1024xf32, #tpu.memory_space<hbm>> -> memref<100000x1024xf32, #tpu.memory_space<hbm>>
    tpu.wait_indirect_dma semaphore(%arg15 : memref<!tpu.dma_semaphore, #tpu.memory_space<semaphore_mem>>) src(%dma_wait3A_264 : memref<100000x1024xf32, #tpu.memory_space<hbm>>) dst(%arg8 : memref<16x1024xf32, #tpu.memory_space<vmem>>)
    %add3A_265 = arith.constant 144 : i32
    %add3A_266 = arith.addi %mul3A_32, %add3A_265 : i32
    %dma_start3A_267 = arith.constant 0 : i32
    %dma_start3A_268 = tpu.memref_slice %arg4[%select_n3A, %add3A_266, %dma_start3A_267] : memref<4x2048x1024xf32, #tpu.memory_space<hbm>> -> memref<1x16x1024xf32, #tpu.memory_space<hbm>>
    %dma_start3A_269 = tpu.memref_squeeze %dma_start3A_268 : memref<1x16x1024xf32, #tpu.memory_space<hbm>> -> memref<16x1024xf32, #tpu.memory_space<hbm>>
    %dma_start3A_270 = arith.constant 0 : i32
    %dma_start3A_271 = tpu.memref_slice %arg4[%select_n3A, %add3A_266, %dma_start3A_270] : memref<4x2048x1024xf32, #tpu.memory_space<hbm>> -> memref<1x16x1024xf32, #tpu.memory_space<hbm>>
    %dma_start3A_272 = tpu.memref_squeeze %dma_start3A_271 : memref<1x16x1024xf32, #tpu.memory_space<hbm>> -> memref<16x1024xf32, #tpu.memory_space<hbm>>
    tpu.enqueue_dma source(%arg8 : memref<16x1024xf32, #tpu.memory_space<vmem>>) target(%dma_start3A_272 : memref<16x1024xf32, #tpu.memory_space<hbm>>) target_semaphore(%arg22 : memref<!tpu.dma_semaphore, #tpu.memory_space<semaphore_mem>>)
    %dma_wait3A_273 = arith.constant 0 : i32
    %dma_wait3A_274 = tpu.memref_slice %arg4[%select_n3A, %add3A_218, %dma_wait3A_273] : memref<4x2048x1024xf32, #tpu.memory_space<hbm>> -> memref<1x16x1024xf32, #tpu.memory_space<hbm>>
    %dma_wait3A_275 = tpu.memref_squeeze %dma_wait3A_274 : memref<1x16x1024xf32, #tpu.memory_space<hbm>> -> memref<16x1024xf32, #tpu.memory_space<hbm>>
    %dma_wait3A_276 = arith.constant 0 : i32
    %dma_wait3A_277 = tpu.memref_slice %arg4[%select_n3A, %add3A_218, %dma_wait3A_276] : memref<4x2048x1024xf32, #tpu.memory_space<hbm>> -> memref<1x16x1024xf32, #tpu.memory_space<hbm>>
    %dma_wait3A_278 = tpu.memref_squeeze %dma_wait3A_277 : memref<1x16x1024xf32, #tpu.memory_space<hbm>> -> memref<16x1024xf32, #tpu.memory_space<hbm>>
    tpu.wait_dma2 semaphore(%arg20 : memref<!tpu.dma_semaphore, #tpu.memory_space<semaphore_mem>>) src(%arg6 : memref<16x1024xf32, #tpu.memory_space<vmem>>) dst(%dma_wait3A_278 : memref<16x1024xf32, #tpu.memory_space<hbm>>)
    %dma_start3A_279 = arith.constant 224 : i32
    %dma_start3A_280 = tpu.memref_slice %arg5[%dma_start3A_279] : memref<256xi32, #tpu.memory_space<vmem>> -> memref<16xi32, #tpu.memory_space<vmem>>
    %dma_start3A_281 = arith.constant 0 : i32
    %dma_start3A_282 = arith.constant 0 : i32
    %dma_start3A_283 = tpu.memref_slice %arg3[%dma_start3A_281, %dma_start3A_282] : memref<100000x1024xf32, #tpu.memory_space<hbm>> -> memref<100000x1024xf32, #tpu.memory_space<hbm>>
    tpu.enqueue_indirect_dma source(%dma_start3A_283 : memref<100000x1024xf32, #tpu.memory_space<hbm>>) target(%arg6 : memref<16x1024xf32, #tpu.memory_space<vmem>>) offsets(%dma_start3A_280 : memref<16xi32, #tpu.memory_space<vmem>>) semaphore(%arg13 : memref<!tpu.dma_semaphore, #tpu.memory_space<semaphore_mem>>)
    %dma_wait3A_284 = arith.constant 160 : i32
    %dma_wait3A_285 = tpu.memref_slice %arg5[%dma_wait3A_284] : memref<256xi32, #tpu.memory_space<vmem>> -> memref<16xi32, #tpu.memory_space<vmem>>
    %dma_wait3A_286 = arith.constant 0 : i32
    %dma_wait3A_287 = arith.constant 0 : i32
    %dma_wait3A_288 = tpu.memref_slice %arg3[%dma_wait3A_286, %dma_wait3A_287] : memref<100000x1024xf32, #tpu.memory_space<hbm>> -> memref<100000x1024xf32, #tpu.memory_space<hbm>>
    tpu.wait_indirect_dma semaphore(%arg16 : memref<!tpu.dma_semaphore, #tpu.memory_space<semaphore_mem>>) src(%dma_wait3A_288 : memref<100000x1024xf32, #tpu.memory_space<hbm>>) dst(%arg9 : memref<16x1024xf32, #tpu.memory_space<vmem>>)
    %add3A_289 = arith.constant 160 : i32
    %add3A_290 = arith.addi %mul3A_32, %add3A_289 : i32
    %dma_start3A_291 = arith.constant 0 : i32
    %dma_start3A_292 = tpu.memref_slice %arg4[%select_n3A, %add3A_290, %dma_start3A_291] : memref<4x2048x1024xf32, #tpu.memory_space<hbm>> -> memref<1x16x1024xf32, #tpu.memory_space<hbm>>
    %dma_start3A_293 = tpu.memref_squeeze %dma_start3A_292 : memref<1x16x1024xf32, #tpu.memory_space<hbm>> -> memref<16x1024xf32, #tpu.memory_space<hbm>>
    %dma_start3A_294 = arith.constant 0 : i32
    %dma_start3A_295 = tpu.memref_slice %arg4[%select_n3A, %add3A_290, %dma_start3A_294] : memref<4x2048x1024xf32, #tpu.memory_space<hbm>> -> memref<1x16x1024xf32, #tpu.memory_space<hbm>>
    %dma_start3A_296 = tpu.memref_squeeze %dma_start3A_295 : memref<1x16x1024xf32, #tpu.memory_space<hbm>> -> memref<16x1024xf32, #tpu.memory_space<hbm>>
    tpu.enqueue_dma source(%arg9 : memref<16x1024xf32, #tpu.memory_space<vmem>>) target(%dma_start3A_296 : memref<16x1024xf32, #tpu.memory_space<hbm>>) target_semaphore(%arg23 : memref<!tpu.dma_semaphore, #tpu.memory_space<semaphore_mem>>)
    %dma_wait3A_297 = arith.constant 0 : i32
    %dma_wait3A_298 = tpu.memref_slice %arg4[%select_n3A, %add3A_242, %dma_wait3A_297] : memref<4x2048x1024xf32, #tpu.memory_space<hbm>> -> memref<1x16x1024xf32, #tpu.memory_space<hbm>>
    %dma_wait3A_299 = tpu.memref_squeeze %dma_wait3A_298 : memref<1x16x1024xf32, #tpu.memory_space<hbm>> -> memref<16x1024xf32, #tpu.memory_space<hbm>>
    %dma_wait3A_300 = arith.constant 0 : i32
    %dma_wait3A_301 = tpu.memref_slice %arg4[%select_n3A, %add3A_242, %dma_wait3A_300] : memref<4x2048x1024xf32, #tpu.memory_space<hbm>> -> memref<1x16x1024xf32, #tpu.memory_space<hbm>>
    %dma_wait3A_302 = tpu.memref_squeeze %dma_wait3A_301 : memref<1x16x1024xf32, #tpu.memory_space<hbm>> -> memref<16x1024xf32, #tpu.memory_space<hbm>>
    tpu.wait_dma2 semaphore(%arg21 : memref<!tpu.dma_semaphore, #tpu.memory_space<semaphore_mem>>) src(%arg7 : memref<16x1024xf32, #tpu.memory_space<vmem>>) dst(%dma_wait3A_302 : memref<16x1024xf32, #tpu.memory_space<hbm>>)
    %dma_start3A_303 = arith.constant 240 : i32
    %dma_start3A_304 = tpu.memref_slice %arg5[%dma_start3A_303] : memref<256xi32, #tpu.memory_space<vmem>> -> memref<16xi32, #tpu.memory_space<vmem>>
    %dma_start3A_305 = arith.constant 0 : i32
    %dma_start3A_306 = arith.constant 0 : i32
    %dma_start3A_307 = tpu.memref_slice %arg3[%dma_start3A_305, %dma_start3A_306] : memref<100000x1024xf32, #tpu.memory_space<hbm>> -> memref<100000x1024xf32, #tpu.memory_space<hbm>>
    tpu.enqueue_indirect_dma source(%dma_start3A_307 : memref<100000x1024xf32, #tpu.memory_space<hbm>>) target(%arg7 : memref<16x1024xf32, #tpu.memory_space<vmem>>) offsets(%dma_start3A_304 : memref<16xi32, #tpu.memory_space<vmem>>) semaphore(%arg14 : memref<!tpu.dma_semaphore, #tpu.memory_space<semaphore_mem>>)
    %dma_wait3A_308 = arith.constant 176 : i32
    %dma_wait3A_309 = tpu.memref_slice %arg5[%dma_wait3A_308] : memref<256xi32, #tpu.memory_space<vmem>> -> memref<16xi32, #tpu.memory_space<vmem>>
    %dma_wait3A_310 = arith.constant 0 : i32
    %dma_wait3A_311 = arith.constant 0 : i32
    %dma_wait3A_312 = tpu.memref_slice %arg3[%dma_wait3A_310, %dma_wait3A_311] : memref<100000x1024xf32, #tpu.memory_space<hbm>> -> memref<100000x1024xf32, #tpu.memory_space<hbm>>
    tpu.wait_indirect_dma semaphore(%arg17 : memref<!tpu.dma_semaphore, #tpu.memory_space<semaphore_mem>>) src(%dma_wait3A_312 : memref<100000x1024xf32, #tpu.memory_space<hbm>>) dst(%arg10 : memref<16x1024xf32, #tpu.memory_space<vmem>>)
    %add3A_313 = arith.constant 176 : i32
    %add3A_314 = arith.addi %mul3A_32, %add3A_313 : i32
    %dma_start3A_315 = arith.constant 0 : i32
    %dma_start3A_316 = tpu.memref_slice %arg4[%select_n3A, %add3A_314, %dma_start3A_315] : memref<4x2048x1024xf32, #tpu.memory_space<hbm>> -> memref<1x16x1024xf32, #tpu.memory_space<hbm>>
    %dma_start3A_317 = tpu.memref_squeeze %dma_start3A_316 : memref<1x16x1024xf32, #tpu.memory_space<hbm>> -> memref<16x1024xf32, #tpu.memory_space<hbm>>
    %dma_start3A_318 = arith.constant 0 : i32
    %dma_start3A_319 = tpu.memref_slice %arg4[%select_n3A, %add3A_314, %dma_start3A_318] : memref<4x2048x1024xf32, #tpu.memory_space<hbm>> -> memref<1x16x1024xf32, #tpu.memory_space<hbm>>
    %dma_start3A_320 = tpu.memref_squeeze %dma_start3A_319 : memref<1x16x1024xf32, #tpu.memory_space<hbm>> -> memref<16x1024xf32, #tpu.memory_space<hbm>>
    tpu.enqueue_dma source(%arg10 : memref<16x1024xf32, #tpu.memory_space<vmem>>) target(%dma_start3A_320 : memref<16x1024xf32, #tpu.memory_space<hbm>>) target_semaphore(%arg24 : memref<!tpu.dma_semaphore, #tpu.memory_space<semaphore_mem>>)
    %dma_wait3A_321 = arith.constant 192 : i32
    %dma_wait3A_322 = tpu.memref_slice %arg5[%dma_wait3A_321] : memref<256xi32, #tpu.memory_space<vmem>> -> memref<16xi32, #tpu.memory_space<vmem>>
    %dma_wait3A_323 = arith.constant 0 : i32
    %dma_wait3A_324 = arith.constant 0 : i32
    %dma_wait3A_325 = tpu.memref_slice %arg3[%dma_wait3A_323, %dma_wait3A_324] : memref<100000x1024xf32, #tpu.memory_space<hbm>> -> memref<100000x1024xf32, #tpu.memory_space<hbm>>
    tpu.wait_indirect_dma semaphore(%arg18 : memref<!tpu.dma_semaphore, #tpu.memory_space<semaphore_mem>>) src(%dma_wait3A_325 : memref<100000x1024xf32, #tpu.memory_space<hbm>>) dst(%arg11 : memref<16x1024xf32, #tpu.memory_space<vmem>>)
    %add3A_326 = arith.constant 192 : i32
    %add3A_327 = arith.addi %mul3A_32, %add3A_326 : i32
    %dma_start3A_328 = arith.constant 0 : i32
    %dma_start3A_329 = tpu.memref_slice %arg4[%select_n3A, %add3A_327, %dma_start3A_328] : memref<4x2048x1024xf32, #tpu.memory_space<hbm>> -> memref<1x16x1024xf32, #tpu.memory_space<hbm>>
    %dma_start3A_330 = tpu.memref_squeeze %dma_start3A_329 : memref<1x16x1024xf32, #tpu.memory_space<hbm>> -> memref<16x1024xf32, #tpu.memory_space<hbm>>
    %dma_start3A_331 = arith.constant 0 : i32
    %dma_start3A_332 = tpu.memref_slice %arg4[%select_n3A, %add3A_327, %dma_start3A_331] : memref<4x2048x1024xf32, #tpu.memory_space<hbm>> -> memref<1x16x1024xf32, #tpu.memory_space<hbm>>
    %dma_start3A_333 = tpu.memref_squeeze %dma_start3A_332 : memref<1x16x1024xf32, #tpu.memory_space<hbm>> -> memref<16x1024xf32, #tpu.memory_space<hbm>>
    tpu.enqueue_dma source(%arg11 : memref<16x1024xf32, #tpu.memory_space<vmem>>) target(%dma_start3A_333 : memref<16x1024xf32, #tpu.memory_space<hbm>>) target_semaphore(%arg25 : memref<!tpu.dma_semaphore, #tpu.memory_space<semaphore_mem>>)
    %dma_wait3A_334 = arith.constant 208 : i32
    %dma_wait3A_335 = tpu.memref_slice %arg5[%dma_wait3A_334] : memref<256xi32, #tpu.memory_space<vmem>> -> memref<16xi32, #tpu.memory_space<vmem>>
    %dma_wait3A_336 = arith.constant 0 : i32
    %dma_wait3A_337 = arith.constant 0 : i32
    %dma_wait3A_338 = tpu.memref_slice %arg3[%dma_wait3A_336, %dma_wait3A_337] : memref<100000x1024xf32, #tpu.memory_space<hbm>> -> memref<100000x1024xf32, #tpu.memory_space<hbm>>
    tpu.wait_indirect_dma semaphore(%arg19 : memref<!tpu.dma_semaphore, #tpu.memory_space<semaphore_mem>>) src(%dma_wait3A_338 : memref<100000x1024xf32, #tpu.memory_space<hbm>>) dst(%arg12 : memref<16x1024xf32, #tpu.memory_space<vmem>>)
    %add3A_339 = arith.constant 208 : i32
    %add3A_340 = arith.addi %mul3A_32, %add3A_339 : i32
    %dma_start3A_341 = arith.constant 0 : i32
    %dma_start3A_342 = tpu.memref_slice %arg4[%select_n3A, %add3A_340, %dma_start3A_341] : memref<4x2048x1024xf32, #tpu.memory_space<hbm>> -> memref<1x16x1024xf32, #tpu.memory_space<hbm>>
    %dma_start3A_343 = tpu.memref_squeeze %dma_start3A_342 : memref<1x16x1024xf32, #tpu.memory_space<hbm>> -> memref<16x1024xf32, #tpu.memory_space<hbm>>
    %dma_start3A_344 = arith.constant 0 : i32
    %dma_start3A_345 = tpu.memref_slice %arg4[%select_n3A, %add3A_340, %dma_start3A_344] : memref<4x2048x1024xf32, #tpu.memory_space<hbm>> -> memref<1x16x1024xf32, #tpu.memory_space<hbm>>
    %dma_start3A_346 = tpu.memref_squeeze %dma_start3A_345 : memref<1x16x1024xf32, #tpu.memory_space<hbm>> -> memref<16x1024xf32, #tpu.memory_space<hbm>>
    tpu.enqueue_dma source(%arg12 : memref<16x1024xf32, #tpu.memory_space<vmem>>) target(%dma_start3A_346 : memref<16x1024xf32, #tpu.memory_space<hbm>>) target_semaphore(%arg26 : memref<!tpu.dma_semaphore, #tpu.memory_space<semaphore_mem>>)
    %dma_wait3A_347 = arith.constant 224 : i32
    %dma_wait3A_348 = tpu.memref_slice %arg5[%dma_wait3A_347] : memref<256xi32, #tpu.memory_space<vmem>> -> memref<16xi32, #tpu.memory_space<vmem>>
    %dma_wait3A_349 = arith.constant 0 : i32
    %dma_wait3A_350 = arith.constant 0 : i32
    %dma_wait3A_351 = tpu.memref_slice %arg3[%dma_wait3A_349, %dma_wait3A_350] : memref<100000x1024xf32, #tpu.memory_space<hbm>> -> memref<100000x1024xf32, #tpu.memory_space<hbm>>
    tpu.wait_indirect_dma semaphore(%arg13 : memref<!tpu.dma_semaphore, #tpu.memory_space<semaphore_mem>>) src(%dma_wait3A_351 : memref<100000x1024xf32, #tpu.memory_space<hbm>>) dst(%arg6 : memref<16x1024xf32, #tpu.memory_space<vmem>>)
    %add3A_352 = arith.constant 224 : i32
    %add3A_353 = arith.addi %mul3A_32, %add3A_352 : i32
    %dma_start3A_354 = arith.constant 0 : i32
    %dma_start3A_355 = tpu.memref_slice %arg4[%select_n3A, %add3A_353, %dma_start3A_354] : memref<4x2048x1024xf32, #tpu.memory_space<hbm>> -> memref<1x16x1024xf32, #tpu.memory_space<hbm>>
    %dma_start3A_356 = tpu.memref_squeeze %dma_start3A_355 : memref<1x16x1024xf32, #tpu.memory_space<hbm>> -> memref<16x1024xf32, #tpu.memory_space<hbm>>
    %dma_start3A_357 = arith.constant 0 : i32
    %dma_start3A_358 = tpu.memref_slice %arg4[%select_n3A, %add3A_353, %dma_start3A_357] : memref<4x2048x1024xf32, #tpu.memory_space<hbm>> -> memref<1x16x1024xf32, #tpu.memory_space<hbm>>
    %dma_start3A_359 = tpu.memref_squeeze %dma_start3A_358 : memref<1x16x1024xf32, #tpu.memory_space<hbm>> -> memref<16x1024xf32, #tpu.memory_space<hbm>>
    tpu.enqueue_dma source(%arg6 : memref<16x1024xf32, #tpu.memory_space<vmem>>) target(%dma_start3A_359 : memref<16x1024xf32, #tpu.memory_space<hbm>>) target_semaphore(%arg20 : memref<!tpu.dma_semaphore, #tpu.memory_space<semaphore_mem>>)
    %dma_wait3A_360 = arith.constant 240 : i32
    %dma_wait3A_361 = tpu.memref_slice %arg5[%dma_wait3A_360] : memref<256xi32, #tpu.memory_space<vmem>> -> memref<16xi32, #tpu.memory_space<vmem>>
    %dma_wait3A_362 = arith.constant 0 : i32
    %dma_wait3A_363 = arith.constant 0 : i32
    %dma_wait3A_364 = tpu.memref_slice %arg3[%dma_wait3A_362, %dma_wait3A_363] : memref<100000x1024xf32, #tpu.memory_space<hbm>> -> memref<100000x1024xf32, #tpu.memory_space<hbm>>
    tpu.wait_indirect_dma semaphore(%arg14 : memref<!tpu.dma_semaphore, #tpu.memory_space<semaphore_mem>>) src(%dma_wait3A_364 : memref<100000x1024xf32, #tpu.memory_space<hbm>>) dst(%arg7 : memref<16x1024xf32, #tpu.memory_space<vmem>>)
    %add3A_365 = arith.constant 240 : i32
    %add3A_366 = arith.addi %mul3A_32, %add3A_365 : i32
    %dma_start3A_367 = arith.constant 0 : i32
    %dma_start3A_368 = tpu.memref_slice %arg4[%select_n3A, %add3A_366, %dma_start3A_367] : memref<4x2048x1024xf32, #tpu.memory_space<hbm>> -> memref<1x16x1024xf32, #tpu.memory_space<hbm>>
    %dma_start3A_369 = tpu.memref_squeeze %dma_start3A_368 : memref<1x16x1024xf32, #tpu.memory_space<hbm>> -> memref<16x1024xf32, #tpu.memory_space<hbm>>
    %dma_start3A_370 = arith.constant 0 : i32
    %dma_start3A_371 = tpu.memref_slice %arg4[%select_n3A, %add3A_366, %dma_start3A_370] : memref<4x2048x1024xf32, #tpu.memory_space<hbm>> -> memref<1x16x1024xf32, #tpu.memory_space<hbm>>
    %dma_start3A_372 = tpu.memref_squeeze %dma_start3A_371 : memref<1x16x1024xf32, #tpu.memory_space<hbm>> -> memref<16x1024xf32, #tpu.memory_space<hbm>>
    tpu.enqueue_dma source(%arg7 : memref<16x1024xf32, #tpu.memory_space<vmem>>) target(%dma_start3A_372 : memref<16x1024xf32, #tpu.memory_space<hbm>>) target_semaphore(%arg21 : memref<!tpu.dma_semaphore, #tpu.memory_space<semaphore_mem>>)
    %dma_wait3A_373 = arith.constant 0 : i32
    %dma_wait3A_374 = tpu.memref_slice %arg4[%select_n3A, %add3A_266, %dma_wait3A_373] : memref<4x2048x1024xf32, #tpu.memory_space<hbm>> -> memref<1x16x1024xf32, #tpu.memory_space<hbm>>
    %dma_wait3A_375 = tpu.memref_squeeze %dma_wait3A_374 : memref<1x16x1024xf32, #tpu.memory_space<hbm>> -> memref<16x1024xf32, #tpu.memory_space<hbm>>
    %dma_wait3A_376 = arith.constant 0 : i32
    %dma_wait3A_377 = tpu.memref_slice %arg4[%select_n3A, %add3A_266, %dma_wait3A_376] : memref<4x2048x1024xf32, #tpu.memory_space<hbm>> -> memref<1x16x1024xf32, #tpu.memory_space<hbm>>
    %dma_wait3A_378 = tpu.memref_squeeze %dma_wait3A_377 : memref<1x16x1024xf32, #tpu.memory_space<hbm>> -> memref<16x1024xf32, #tpu.memory_space<hbm>>
    tpu.wait_dma2 semaphore(%arg22 : memref<!tpu.dma_semaphore, #tpu.memory_space<semaphore_mem>>) src(%arg8 : memref<16x1024xf32, #tpu.memory_space<vmem>>) dst(%dma_wait3A_378 : memref<16x1024xf32, #tpu.memory_space<hbm>>)
    %dma_wait3A_379 = arith.constant 0 : i32
    %dma_wait3A_380 = tpu.memref_slice %arg4[%select_n3A, %add3A_290, %dma_wait3A_379] : memref<4x2048x1024xf32, #tpu.memory_space<hbm>> -> memref<1x16x1024xf32, #tpu.memory_space<hbm>>
    %dma_wait3A_381 = tpu.memref_squeeze %dma_wait3A_380 : memref<1x16x1024xf32, #tpu.memory_space<hbm>> -> memref<16x1024xf32, #tpu.memory_space<hbm>>
    %dma_wait3A_382 = arith.constant 0 : i32
    %dma_wait3A_383 = tpu.memref_slice %arg4[%select_n3A, %add3A_290, %dma_wait3A_382] : memref<4x2048x1024xf32, #tpu.memory_space<hbm>> -> memref<1x16x1024xf32, #tpu.memory_space<hbm>>
    %dma_wait3A_384 = tpu.memref_squeeze %dma_wait3A_383 : memref<1x16x1024xf32, #tpu.memory_space<hbm>> -> memref<16x1024xf32, #tpu.memory_space<hbm>>
    tpu.wait_dma2 semaphore(%arg23 : memref<!tpu.dma_semaphore, #tpu.memory_space<semaphore_mem>>) src(%arg9 : memref<16x1024xf32, #tpu.memory_space<vmem>>) dst(%dma_wait3A_384 : memref<16x1024xf32, #tpu.memory_space<hbm>>)
    %dma_wait3A_385 = arith.constant 0 : i32
    %dma_wait3A_386 = tpu.memref_slice %arg4[%select_n3A, %add3A_314, %dma_wait3A_385] : memref<4x2048x1024xf32, #tpu.memory_space<hbm>> -> memref<1x16x1024xf32, #tpu.memory_space<hbm>>
    %dma_wait3A_387 = tpu.memref_squeeze %dma_wait3A_386 : memref<1x16x1024xf32, #tpu.memory_space<hbm>> -> memref<16x1024xf32, #tpu.memory_space<hbm>>
    %dma_wait3A_388 = arith.constant 0 : i32
    %dma_wait3A_389 = tpu.memref_slice %arg4[%select_n3A, %add3A_314, %dma_wait3A_388] : memref<4x2048x1024xf32, #tpu.memory_space<hbm>> -> memref<1x16x1024xf32, #tpu.memory_space<hbm>>
    %dma_wait3A_390 = tpu.memref_squeeze %dma_wait3A_389 : memref<1x16x1024xf32, #tpu.memory_space<hbm>> -> memref<16x1024xf32, #tpu.memory_space<hbm>>
    tpu.wait_dma2 semaphore(%arg24 : memref<!tpu.dma_semaphore, #tpu.memory_space<semaphore_mem>>) src(%arg10 : memref<16x1024xf32, #tpu.memory_space<vmem>>) dst(%dma_wait3A_390 : memref<16x1024xf32, #tpu.memory_space<hbm>>)
    %dma_wait3A_391 = arith.constant 0 : i32
    %dma_wait3A_392 = tpu.memref_slice %arg4[%select_n3A, %add3A_327, %dma_wait3A_391] : memref<4x2048x1024xf32, #tpu.memory_space<hbm>> -> memref<1x16x1024xf32, #tpu.memory_space<hbm>>
    %dma_wait3A_393 = tpu.memref_squeeze %dma_wait3A_392 : memref<1x16x1024xf32, #tpu.memory_space<hbm>> -> memref<16x1024xf32, #tpu.memory_space<hbm>>
    %dma_wait3A_394 = arith.constant 0 : i32
    %dma_wait3A_395 = tpu.memref_slice %arg4[%select_n3A, %add3A_327, %dma_wait3A_394] : memref<4x2048x1024xf32, #tpu.memory_space<hbm>> -> memref<1x16x1024xf32, #tpu.memory_space<hbm>>
    %dma_wait3A_396 = tpu.memref_squeeze %dma_wait3A_395 : memref<1x16x1024xf32, #tpu.memory_space<hbm>> -> memref<16x1024xf32, #tpu.memory_space<hbm>>
    tpu.wait_dma2 semaphore(%arg25 : memref<!tpu.dma_semaphore, #tpu.memory_space<semaphore_mem>>) src(%arg11 : memref<16x1024xf32, #tpu.memory_space<vmem>>) dst(%dma_wait3A_396 : memref<16x1024xf32, #tpu.memory_space<hbm>>)
    %dma_wait3A_397 = arith.constant 0 : i32
    %dma_wait3A_398 = tpu.memref_slice %arg4[%select_n3A, %add3A_340, %dma_wait3A_397] : memref<4x2048x1024xf32, #tpu.memory_space<hbm>> -> memref<1x16x1024xf32, #tpu.memory_space<hbm>>
    %dma_wait3A_399 = tpu.memref_squeeze %dma_wait3A_398 : memref<1x16x1024xf32, #tpu.memory_space<hbm>> -> memref<16x1024xf32, #tpu.memory_space<hbm>>
    %dma_wait3A_400 = arith.constant 0 : i32
    %dma_wait3A_401 = tpu.memref_slice %arg4[%select_n3A, %add3A_340, %dma_wait3A_400] : memref<4x2048x1024xf32, #tpu.memory_space<hbm>> -> memref<1x16x1024xf32, #tpu.memory_space<hbm>>
    %dma_wait3A_402 = tpu.memref_squeeze %dma_wait3A_401 : memref<1x16x1024xf32, #tpu.memory_space<hbm>> -> memref<16x1024xf32, #tpu.memory_space<hbm>>
    tpu.wait_dma2 semaphore(%arg26 : memref<!tpu.dma_semaphore, #tpu.memory_space<semaphore_mem>>) src(%arg12 : memref<16x1024xf32, #tpu.memory_space<vmem>>) dst(%dma_wait3A_402 : memref<16x1024xf32, #tpu.memory_space<hbm>>)
    %dma_wait3A_403 = arith.constant 0 : i32
    %dma_wait3A_404 = tpu.memref_slice %arg4[%select_n3A, %add3A_353, %dma_wait3A_403] : memref<4x2048x1024xf32, #tpu.memory_space<hbm>> -> memref<1x16x1024xf32, #tpu.memory_space<hbm>>
    %dma_wait3A_405 = tpu.memref_squeeze %dma_wait3A_404 : memref<1x16x1024xf32, #tpu.memory_space<hbm>> -> memref<16x1024xf32, #tpu.memory_space<hbm>>
    %dma_wait3A_406 = arith.constant 0 : i32
    %dma_wait3A_407 = tpu.memref_slice %arg4[%select_n3A, %add3A_353, %dma_wait3A_406] : memref<4x2048x1024xf32, #tpu.memory_space<hbm>> -> memref<1x16x1024xf32, #tpu.memory_space<hbm>>
    %dma_wait3A_408 = tpu.memref_squeeze %dma_wait3A_407 : memref<1x16x1024xf32, #tpu.memory_space<hbm>> -> memref<16x1024xf32, #tpu.memory_space<hbm>>
    tpu.wait_dma2 semaphore(%arg20 : memref<!tpu.dma_semaphore, #tpu.memory_space<semaphore_mem>>) src(%arg6 : memref<16x1024xf32, #tpu.memory_space<vmem>>) dst(%dma_wait3A_408 : memref<16x1024xf32, #tpu.memory_space<hbm>>)
    %dma_wait3A_409 = arith.constant 0 : i32
    %dma_wait3A_410 = tpu.memref_slice %arg4[%select_n3A, %add3A_366, %dma_wait3A_409] : memref<4x2048x1024xf32, #tpu.memory_space<hbm>> -> memref<1x16x1024xf32, #tpu.memory_space<hbm>>
    %dma_wait3A_411 = tpu.memref_squeeze %dma_wait3A_410 : memref<1x16x1024xf32, #tpu.memory_space<hbm>> -> memref<16x1024xf32, #tpu.memory_space<hbm>>
    %dma_wait3A_412 = arith.constant 0 : i32
    %dma_wait3A_413 = tpu.memref_slice %arg4[%select_n3A, %add3A_366, %dma_wait3A_412] : memref<4x2048x1024xf32, #tpu.memory_space<hbm>> -> memref<1x16x1024xf32, #tpu.memory_space<hbm>>
    %dma_wait3A_414 = tpu.memref_squeeze %dma_wait3A_413 : memref<1x16x1024xf32, #tpu.memory_space<hbm>> -> memref<16x1024xf32, #tpu.memory_space<hbm>>
    tpu.wait_dma2 semaphore(%arg21 : memref<!tpu.dma_semaphore, #tpu.memory_space<semaphore_mem>>) src(%arg7 : memref<16x1024xf32, #tpu.memory_space<vmem>>) dst(%dma_wait3A_414 : memref<16x1024xf32, #tpu.memory_space<hbm>>)
    return
  }
}

</mosaic_0001>

<sc_bundles>
// kernel: kernel.3.cloned.1.call-start
scs
__scs_entry_jumppad:
0x0: {  	(pc) =	sbr.rel $0x88, $3  }
0x1: {  	(tag) =	ssettag $0x0;
	lr =	simm.s32 $0x1  }
0x2: {  	[smem:$0x3F9F] =	sst lr;
	_ =	strace $0xD0000000  }
0x3: {  	_ = 	snop  }
0x4: {  	_ = 	snop  }
0x5: {  	_ = 	snop  }
0x6: {  	_ = 	snop  }
0x7: {  	_ = 	snop  }
__scs_overlays_trampoline_lowered:
0x8: {  	[smem:$0x3FAE] =	sst s0  }
0x9: {  	[smem:$0x3FAF] =	sst s1  }
0xa: {  	[smem:$0x3FB0] =	sst s2  }
0xb: {  	[smem:$0x3FB1] =	sst s3  }
0xc: {  	[smem:$0x3FB2] =	sst s4  }
0xd: {  	[smem:$0x3FB3] =	sst s5  }
0xe: {  	[smem:$0x3FB4] =	sst s6  }
0xf: {  	[smem:$0x3FB5] =	sst s7  }
0x10: {  	[smem:$0x3FB6] =	sst s8  }
0x11: {  	[smem:$0x3FB7] =	sst s9;
	s0 =	simm.s32 @!p0 $0x0  }
0x12: {  	s1 =	sld [smem:$0x3F9D];
	s0 =	simm.s32 @p0 $0x1  }
0x13: {  	[smem:$0x3FB8] =	sst s0;
	s0 =	simm.s32 @!p1 $0x0  }
0x14: {  	s2 =	sld [smem:$0x3F9C];
	s0 =	simm.s32 @p1 $0x1  }
0x15: {  	[smem:$0x3FB9] =	sst s0;
	s0 =	simm.s32 @!p2 $0x0  }
0x16: {  	s3 =	sld [smem:$0x3FDB];
	s0 =	simm.s32 @p2 $0x1  }
0x17: {  	s4 =	simm.s32 $0x1BF5;
	[smem:$0x3FBB] =	sst s0  }
0x18: {  	s0 =	sld [smem:$0x3F9E];
	_ =	swait.ge [sflag:s4], $0x0  }
0x19: {  	s7 =	sld [smem:$0x3F9F]  }
0x1a: {  	s8 =	sadd.s32 $0xFFFFE003, lr  }
0x1b: {  	s9 =	sadd.s32 $0xFFFFFEF7, lr;
	s5 =	simm.s32 $0xFFFFFFFF;
	p2 =	slt.u32 s8, $0xFFFFF086  }
0x1c: {  	p1 =	slt.u32 s9, $0xF7A;
	s5 =	simm.s32 @!p2 $0x0  }
0x1d: {  	s5 =	simm.s32 @p1 $0x1;
	p0 =	seq.s32 s7, s2  }
0x1e: {  	s7 =	smul.u32 @!p0 $0xF7A, s2;
	p2 =	seq.s32 @!p0 s5, $0x0  }
0x1f: {  	s9 =	smul.u32 $0xF7A, s1;
	s8 =	simm.s32 @!p0 $0x1BF5;
	p2 =	por !p2, p0  }
0x20: {  	[sflag:s8] =	ssyncset.s32 @!p0 $0xFFFFF086;
	s6 =	sadd.s32 @!p0 s3, s7;
	s7 =	simm.s32 @!p0 $0x108  }
0x21: {  	s3 =	sadd.s32 s3, s9;
	s6 =	sadd.s32 @!p0 $0x88, s6;
	s7 =	simm.s32 @p2 $0x1082  }
0x22: {  	[simem:s7], [sflag:s8] =	dma.local @!p0 [hbm:s6], $0xF7A  }
0x23: {  	s9 =	sor.u32 $0xD0000000, s2;
	s6 =	simm.s32 $0x108;
	_ =	swait.ge @!p0 [sflag:s8], $0x0  }
0x24: {  	s3 =	sadd.s32 $0x88, s3;
	s6 =	simm.s32 @!p1 $0x1082;
	[sflag:s4] =	ssyncset.s32 $0xFFFFF086  }
0x25: {  	[simem:s6], [sflag:s4] =	dma.local [hbm:s3], $0xF7A  }
0x26: {  	[smem:$0x3F9F] =	sst s1;
	(tag) =	ssettag s2;
	_ =	strace s9  }
0x27: {  	s1 =	sld [smem:$0x3FAF]  }
0x28: {  	s2 =	sld [smem:$0x3FB0]  }
0x29: {  	s4 =	sld [smem:$0x3FB2]  }
0x2a: {  	p0 =	seq.s32 s5, $0x0;
	s5 =	sld [smem:$0x3FB3]  }
0x2b: {  	s6 =	sld [smem:$0x3FB4]  }
0x2c: {  	s7 =	sld [smem:$0x3FB5]  }
0x2d: {  	s3 =	simm.s32 $0x108;
	s8 =	sld [smem:$0x3FB6]  }
0x2e: {  	s3 =	simm.s32 @!p0 $0x1082;
	s9 =	sld [smem:$0x3FB7]  }
0x2f: {  	lr =	sadd.s32 s0, s3;
	s0 =	sld [smem:$0x3FAE]  }
0x30: {  	s3 =	sld [smem:$0x3FB1]  }
0x31: {  	[smem:$0x3FBA] =	sst s10  }
0x32: {  	s10 =	sld [smem:$0x3FB8];
	_ =	sdelay $0x3  }
0x33: {  	p0 =	seq.s32 s10, $0x1;
	s10 =	sld [smem:$0x3FBA];
	_ =	sdelay $0x3  }
0x34: {  	[smem:$0x3FBA] =	sst s10  }
0x35: {  	s10 =	sld [smem:$0x3FB9];
	_ =	sdelay $0x3  }
0x36: {  	p1 =	seq.s32 s10, $0x1;
	s10 =	sld [smem:$0x3FBA];
	_ =	sdelay $0x3  }
0x37: {  	[smem:$0x3FBA] =	sst s10  }
0x38: {  	s10 =	sld [smem:$0x3FBB]  }
0x39: {  	_ = 	snop;
	(pc) =	sbr.ind lr, $3  }
0x3a: {  	_ = 	snop  }
0x3b: {  	_ = 	snop  }
0x3c: {  	p2 =	seq.s32 s10, $0x1;
	s10 =	sld [smem:$0x3FBA]  }
0x3d: {  	_ =	shalt  }
0x3e: {  	_ =	shalt  }
0x3f: {  	_ =	shalt  }
0x40: {  	_ =	shalt  }
0x41: {  	_ =	shalt  }
0x42: {  	_ =	shalt  }
0x43: {  	_ =	shalt  }
0x44: {  	_ =	shalt  }
0x45: {  	_ =	shalt  }
0x46: {  	_ =	shalt  }
0x47: {  	_ =	shalt  }
0x48: {  	_ =	shalt  }
0x49: {  	_ =	shalt  }
0x4a: {  	_ =	shalt  }
0x4b: {  	_ =	shalt  }
0x4c: {  	_ =	shalt  }
0x4d: {  	_ =	shalt  }
0x4e: {  	_ =	shalt  }
0x4f: {  	_ =	shalt  }
0x50: {  	_ =	shalt  }
0x51: {  	_ =	shalt  }
0x52: {  	_ =	shalt  }
0x53: {  	_ =	shalt  }
0x54: {  	_ =	shalt  }
0x55: {  	_ =	shalt  }
0x56: {  	_ =	shalt  }
0x57: {  	_ =	shalt  }
0x58: {  	_ =	shalt  }
0x59: {  	_ =	shalt  }
0x5a: {  	_ =	shalt  }
0x5b: {  	_ =	shalt  }
0x5c: {  	_ =	shalt  }
0x5d: {  	_ =	shalt  }
0x5e: {  	_ =	shalt  }
0x5f: {  	_ =	shalt  }
0x60: {  	_ =	shalt  }
0x61: {  	_ =	shalt  }
0x62: {  	_ =	shalt  }
0x63: {  	_ =	shalt  }
0x64: {  	_ =	shalt  }
0x65: {  	_ =	shalt  }
0x66: {  	_ =	shalt  }
0x67: {  	_ =	shalt  }
0x68: {  	_ =	shalt  }
0x69: {  	_ =	shalt  }
0x6a: {  	_ =	shalt  }
0x6b: {  	_ =	shalt  }
0x6c: {  	_ =	shalt  }
0x6d: {  	_ =	shalt  }
0x6e: {  	_ =	shalt  }
0x6f: {  	_ =	shalt  }
0x70: {  	_ =	shalt  }
0x71: {  	_ =	shalt  }
0x72: {  	_ =	shalt  }
0x73: {  	_ =	shalt  }
0x74: {  	_ =	shalt  }
0x75: {  	_ =	shalt  }
0x76: {  	_ =	shalt  }
0x77: {  	_ =	shalt  }
0x78: {  	_ =	shalt  }
0x79: {  	_ =	shalt  }
0x7a: {  	_ =	shalt  }
0x7b: {  	_ =	shalt  }
0x7c: {  	_ =	shalt  }
0x7d: {  	_ =	shalt  }
0x7e: {  	_ =	shalt  }
0x7f: {  	_ =	shalt  }
0x80: {  	_ =	shalt  }
0x81: {  	_ =	shalt  }
0x82: {  	_ =	shalt  }
0x83: {  	_ =	shalt  }
0x84: {  	_ =	shalt  }
0x85: {  	_ =	shalt  }
0x86: {  	_ =	shalt  }
0x87: {  	_ =	shalt  }
.Lfunc_end0:
.L_simem_size_0:
called_computation_lowered:
.L_overlay_start_0:
0x88: {  	s2 =	sld [smem:$0x3FD9]  }
0x89: {  	s3 =	sld [smem:$0x3FFE];
	_ =	sdelay $0x1  }
0x8a: {  	s1 =	srdreg.scid  }
0x8b: {  	s0 =	sand.u32 $0x1, s1  }
0x8c: {  	s18 =	sshll.u32 s0, $0xA;
	s2 =	sadd.s32 s3, s2  }
0x8d: {  	s2 =	sadd.s32 s2, s18  }
0x8e: {  	[smem:$0x3FC6] =	sst s2  }
0x8f: {  	_ = 	snop  }
0x90: {  	s2 =	sld [smem:$0x3FC9]  }
0x91: {  	s19 =	sld [smem:$0x3FC8]  }
0x92: {  	s4 =	sld [smem:$0x3FD0];
	(tm) =	ssettm $0x1  }
0x93: {  	s5 =	sld [smem:$0x3FFB];
	_ =	sdelay $0x3  }
0x94: {  	_ =	strace s5  }
0x95: {  	s5 =	sld [smem:$0x3FFC];
	_ =	sdelay $0x3  }
0x96: {  	_ =	strace s5  }
0x97: {  	s5 =	sld [smem:$0x3FFD];
	_ =	sdelay $0x3  }
0x98: {  	_ =	strace s5  }
0x99: {  	_ =	strace $0x8FFFFFFF  }
0x9a: {  	s20 =	sld [smem:$0x3FDB];
	_ =	sdelay $0x1  }
0x9b: {  	s6 =	simm.s32 $_scs_section_size  }
0x9c: {  	s7 =	simm.s32 $_size__tile_overlayer_lowered;
	s8 =	simm.s32 $_tile_overlayer_lowered  }
0x9d: {  	s23 =	simm.s32 $0x1BFF;
	s22 =	sshll.u32 s8, $0x1;
	s5 =	sadd.s32 s6, s20  }
0x9e: {  	s9 =	simm.s32 $0x0;
	s21 =	sshll.u32 s7, $0x1;
	s7 =	sadd.s32 s22, s5  }
0x9f: {  	[timem:s9], [sflag:s23] =	dma.local [hbm:s7], s21  }
0xa0: {  	_ =	swait.ge [sflag:s23], s21  }
0xa1: {  	s6 =	ssub.s32 $0x0, s21;
	[sflag:s23] =	ssyncset.done $0x0  }
0xa2: {  	[sflag:s23] =	ssyncadd.s32 s6;
	_ =	sdelay $0x1  }
0xa3: {  	s24 =	simm.s32 $0x1B8B  }
0xa4: {  	_ =	swait.ge [sflag:s24], $0x1  }
0xa5: {  	[sflag:s24] =	ssyncset.done $0x0  }
0xa6: {  	s25 =	simm.s32 $0x1B8E;
	[sflag:s24] =	ssyncadd.s32 $0xFFFFFFFF  }
0xa7: {  	s26 =	simm.s32 $execute0_lowered;
	[smem:$0x3FD2] =	sst s25  }
0xa8: {  	s6 =	sshll.u32 s26, $0x1;
	_ =	strace $0x80000046;
	[dreg:$0x1] =	wrdreg $0xFFFFFFFF  }
0xa9: {  	s28 =	simm.s32 $_size_execute0_lowered;
	s5 =	sadd.s32 s5, s6;
	[dreg:$0x0] =	wrdreg $0x0  }
0xaa: {  	s6 =	sshll.u32 s28, $0x1;
	[dreg:$0x2] =	wrdreg s5  }
0xab: {  	[dreg:$0x3] =	wrdreg s6  }
0xac: {  	[dreg:$0x4] =	wrdreg $0xC0  }
0xad: {  	_ =	task [dreg:s9], $0x5FFFF  }
0xae: {  	[dreg:$0x1] =	wrdreg $0xFFFFFFFF  }
0xaf: {  	[dreg:$0x0] =	wrdreg $0x60  }
0xb0: {  	[dreg:$0x2] =	wrdreg s2  }
0xb1: {  	[dreg:$0x3] =	wrdreg s19  }
0xb2: {  	[dreg:$0x4] =	wrdreg s4  }
0xb3: {  	[dreg:$0x5] =	wrdreg $0x9  }
0xb4: {  	_ =	task.clear_ibuf [dreg:s9], $0x6FFFF;
	_ =	strace $0x90000046  }
0xb5: {  	s29 =	simm.s32 $0x9;
	_ =	strace $0x80000048  }
0xb6: {  	_ =	swait.ge [sflag:s29], $0x1  }
0xb7: {  	[sflag:s29] =	ssyncadd.s32 $0xFFFFFFFF  }
0xb8: {  	_ =	strace $0x90000048  }
0xb9: {  	_ =	sfence  }
0xba: {  	s30 =	sld [smem:$0x0];
	_ =	sdelay $0x2  }
0xbb: {  	s31 =	sshll.u32 s1, $0xD;
	s1 =	sshrl.u32 s1, $0x2  }
0xbc: {  	s3 =	sand.u32 $0x4000, s31;
	s1 =	sadd.s32 s1, s30  }
0xbd: {  	s0 =	sor.u32 s3, s0;
	s1 =	sshll.u32 s1, $0x11  }
0xbe: {  	s0 =	sor.u32 s1, s0  }
0xbf: {  	s0 =	sadd.s32 $0x8F2B, s0  }
0xc0: {  	[sflag:s0] =	ssyncadd.remote.s32 $0x1  }
0xc1: {  	_ =	sfence.sel $0xFFFF  }
0xc2: {  	[dreg:$0x0] =	wrdreg $0xFFFFFFFF;
	(pc) =	sbr.abs _section_cstart, $3  }
0xc3: {  	[dreg:$0x1] =	wrdreg $0xFFFFFFFF  }
0xc4: {  	_ =	task.clear_ibuf [dreg:s9], $0x2FFFF;
	_ =	strace $0x9FFFFFFF  }
0xc5: {  	(tm) =	ssettm $0x7FFFFFFF  }
tec
execute0_lowered:
.L_overlay_start_1:
0x0: {  	(tag) =	ssettag $0x1  }
0x1: {  	s0 =	rddreg [dreg:$0x0]  }
0x2: {  	s2 =	rddreg [dreg:$0x1]  }
0x3: {  	s1 =	rddreg [dreg:$0x2]  }
0x4: {  	s6 =	stileid.u32;
	s4 =	srdreg.scid;
	s3 =	simm.s32 $0x0  }
0x5: {  	s25 =	simm.s32 $0x80;
	s26 =	simm.s32 $0x200;
	s5 =	sshll.u32 s6, $0x1  }
0x6: {  	s4 =	sand.u32 $0x1, s4;
	[smem:$0x7FF] =	sst s3;
	s6 =	sshrl.u32 s6, $0x2  }
0x7: {  	s5 =	sand.u32 $0x6, s5;
	s8 =	sshll.u32 s6, $0x4;
	s6 =	sshll.u32 s6, $0x12  }
0x8: {  	_ =	strace $0x80000047;
	[dreg:$0x14] =	wrdreg s25;
	s5 =	sor.u32 s4, s5  }
0x9: {  	s0 =	sadd.s32 s0, s8;
	s7 =	sshll.u32 s5, $0xF;
	s5 =	sshll.u32 s5, $0x7  }
0xa: {  	[dreg:$0x15] =	wrdreg s26;
	s6 =	sor.u32 s6, s7;
	s0 =	sadd.s32 s5, s0  }
0xb: {  	s7 =	sadd.s32 s1, s6;
	[dreg:$0x4] =	wrdreg s0  }
0xc: {  	s9 =	sadd.s32 $0x800, s7;
	[dreg:$0x16] =	wrdreg s7  }
0xd: {  	s10 =	sadd.s32 $0x1000, s7;
	[dreg:$0x5] =	wrdreg s9  }
0xe: {  	s11 =	sadd.s32 $0x1800, s7;
	[dreg:$0x6] =	wrdreg s10  }
0xf: {  	s12 =	sadd.s32 $0x2000, s7;
	[dreg:$0x7] =	wrdreg s11  }
0x10: {  	s13 =	sadd.s32 $0x2800, s7;
	[dreg:$0x8] =	wrdreg s12  }
0x11: {  	s30 =	simm.s32 $0x2;
	s14 =	sadd.s32 $0x3000, s7;
	[dreg:$0x9] =	wrdreg s13  }
0x12: {  	s28 =	simm.s32 $0x8900;
	s15 =	sadd.s32 $0x3800, s7;
	[dreg:$0xa] =	wrdreg s14  }
0x13: {  	s29 =	simm.s32 $0xA900;
	s16 =	sadd.s32 $0x4000, s7;
	[dreg:$0xb] =	wrdreg s15  }
0x14: {  	s31 =	simm.s32 $0xB100;
	s17 =	sadd.s32 $0x4800, s7;
	[dreg:$0xc] =	wrdreg s16  }
0x15: {  	s19 =	ssub.s32 $0x2, s4;
	s18 =	sadd.s32 $0x5000, s7;
	[dreg:$0xd] =	wrdreg s17  }
0x16: {  	s4 =	sshrl.u32 s19, $0x1;
	s20 =	sadd.s32 $0x5800, s7;
	[dreg:$0xe] =	wrdreg s18  }
0x17: {  	s5 =	sadd.s32 $0x100, s2;
	s21 =	sadd.s32 $0x6000, s7;
	[dreg:$0xf] =	wrdreg s20  }
0x18: {  	s1 =	ssub.s32 s19, s4;
	s22 =	sadd.s32 $0x6800, s7;
	[dreg:$0x10] =	wrdreg s21  }
0x19: {  	s6 =	sadd.s32 $0x200, s2;
	s23 =	sadd.s32 $0x7000, s7;
	[dreg:$0x11] =	wrdreg s22  }
0x1a: {  	s24 =	sadd.s32 $0x7800, s7;
	s7 =	sadd.s32 $0x300, s2;
	[dreg:$0x12] =	wrdreg s23  }
0x1b: {  	s8 =	smax.u32 s1, $0x1;
	[dreg:$0x13] =	wrdreg s24;
	s21 =	simm.s32 $0x1  }
0x1c: {  	v2 =	vlaneseq.u32;
	s9 =	simm.s32 $0x8;
	s12 =	simm.s32 $0x9;
	s11 =	simm.s32 $0x100  }
0x1d: {  	vm0 =	vmmov $0xffff;
	v1 =	vshrl.u32 v2, $0x3;
	s10 =	simm.s32 $0x4100;
	s14 =	simm.s32 $0x8100;
	s17 =	simm.s32 $0xC100  }
0x1e: {  	v0 =	vand.u32 $0x7, v2;
	v2 =	vor.u32 $0x8, v2;
	v1 =	vmul.u32 $0x8, v1;
	s20 =	simm.s32 $0x10100;
	s15 =	simm.s32 $0x14100;
	s13 =	simm.s32 $0x18100  }
.LBB2_1:
0x1f: {  	s22 =	rddreg [dreg:$0x4]  }
0x20: {  	s23 =	rddreg [dreg:$0x14]  }
0x21: {  	s24 =	rddreg [dreg:$0x15]  }
0x22: {  	[tilespmem:s3], [sflag:$0xF] =	stream.strided.gather [hbm4b:s22+s23], $0x100, s24, s23, $0x38;
	[tilespmem:$0x1C100] =	vst v63  }
0x23: {  	s23 =	simm.s32 $0xF  }
0x24: {  	_ =	swait.ge [sflag:s23], $0x100  }
0x25: {  	[sflag:s23] =	ssyncset.done $0x0  }
0x26: {  	[sflag:s23] =	ssyncadd.s32 $0xFFFFFF00  }
0x27: {  	v3 =	vld [tilespmem:$0x0];
	_ =	sdelay $0x4  }
0x28: {  	v4 =	vshll.u32 v3, $0x3  }
0x29: {  	v3 =	vand.u32 $0x7, v3;
	v4 =	vand.u32 $0xFFFFFFC0, v4  }
0x2a: {  	v3 =	vor.u32 v3, v4  }
0x2b: {  	v4 =	vperm.xlane v3, v0;
	_ =	sdelay $0x1  }
0x2c: {  	v4 =	vadd.s32 v1, v4;
	_ =	sdelay $0x4  }
0x2d: {  	[tilespmem:s11], [sflag:$0x1] =	stream.indirect_vreg.gather [hbm4b:s2+s3], $0x80, v4, vm0, $0xb8;
	[tilespmem:$0x1C100] =	vst v63  }
0x2e: {  	s0 =	simm.s32 $0x900;
	v3 =	vperm.xlane v3, v2  }
0x2f: {  	[tilespmem:s0], [sflag:$0x1] =	stream.indirect_vreg.gather [hbm4b:s5+s3], $0x80, v4, vm0, $0xb8;
	[tilespmem:$0x1C100] =	vst v63  }
0x30: {  	s24 =	simm.s32 $0x1100;
	v3 =	vadd.s32 v1, v3  }
0x31: {  	[tilespmem:s24], [sflag:$0x1] =	stream.indirect_vreg.gather [hbm4b:s6+s3], $0x80, v4, vm0, $0xb8;
	[tilespmem:$0x1C100] =	vst v63  }
0x32: {  	s25 =	simm.s32 $0x1900  }
0x33: {  	[tilespmem:s25], [sflag:$0x1] =	stream.indirect_vreg.gather [hbm4b:s7+s3], $0x80, v4, vm0, $0xb8;
	[tilespmem:$0x1C100] =	vst v63  }
0x34: {  	s26 =	simm.s32 $0x2100  }
0x35: {  	[tilespmem:s26], [sflag:$0x1] =	stream.indirect_vreg.gather [hbm4b:s2+s3], $0x80, v3, vm0, $0xb8;
	[tilespmem:$0x1C100] =	vst v63  }
0x36: {  	s4 =	simm.s32 $0x2900  }
0x37: {  	[tilespmem:s4], [sflag:$0x1] =	stream.indirect_vreg.gather [hbm4b:s5+s3], $0x80, v3, vm0, $0xb8;
	[tilespmem:$0x1C100] =	vst v63  }
0x38: {  	s16 =	simm.s32 $0x3100  }
0x39: {  	[tilespmem:s16], [sflag:$0x1] =	stream.indirect_vreg.gather [hbm4b:s6+s3], $0x80, v3, vm0, $0xb8;
	[tilespmem:$0x1C100] =	vst v63  }
0x3a: {  	s18 =	simm.s32 $0x3900  }
0x3b: {  	[tilespmem:s18], [sflag:$0x1] =	stream.indirect_vreg.gather [hbm4b:s7+s3], $0x80, v3, vm0, $0xb8;
	[tilespmem:$0x1C100] =	vst v63  }
0x3c: {  	v3 =	vld [tilespmem:$0x10];
	_ =	sdelay $0x4  }
0x3d: {  	v49 =	vshll.u32 v3, $0x3  }
0x3e: {  	v3 =	vand.u32 $0x7, v3;
	v4 =	vand.u32 $0xFFFFFFC0, v49  }
0x3f: {  	v3 =	vor.u32 v3, v4  }
0x40: {  	v4 =	vperm.xlane v3, v0;
	_ =	sdelay $0x1  }
0x41: {  	v4 =	vadd.s32 v1, v4;
	_ =	sdelay $0x4  }
0x42: {  	[tilespmem:s10], [sflag:$0x2] =	stream.indirect_vreg.gather [hbm4b:s2+s3], $0x80, v4, vm0, $0xb8;
	[tilespmem:$0x1C100] =	vst v63  }
0x43: {  	s22 =	simm.s32 $0x4900;
	v3 =	vperm.xlane v3, v2  }
0x44: {  	[tilespmem:s22], [sflag:$0x2] =	stream.indirect_vreg.gather [hbm4b:s5+s3], $0x80, v4, vm0, $0xb8;
	[tilespmem:$0x1C100] =	vst v63  }
0x45: {  	s23 =	simm.s32 $0x5100;
	v3 =	vadd.s32 v1, v3  }
0x46: {  	[tilespmem:s23], [sflag:$0x2] =	stream.indirect_vreg.gather [hbm4b:s6+s3], $0x80, v4, vm0, $0xb8;
	[tilespmem:$0x1C100] =	vst v63  }
0x47: {  	s24 =	simm.s32 $0x5900  }
0x48: {  	[tilespmem:s24], [sflag:$0x2] =	stream.indirect_vreg.gather [hbm4b:s7+s3], $0x80, v4, vm0, $0xb8;
	[tilespmem:$0x1C100] =	vst v63  }
0x49: {  	s25 =	simm.s32 $0x6100  }
0x4a: {  	[tilespmem:s25], [sflag:$0x2] =	stream.indirect_vreg.gather [hbm4b:s2+s3], $0x80, v3, vm0, $0xb8;
	[tilespmem:$0x1C100] =	vst v63  }
0x4b: {  	s26 =	simm.s32 $0x6900  }
0x4c: {  	[tilespmem:s26], [sflag:$0x2] =	stream.indirect_vreg.gather [hbm4b:s5+s3], $0x80, v3, vm0, $0xb8;
	[tilespmem:$0x1C100] =	vst v63  }
0x4d: {  	s16 =	simm.s32 $0x7100  }
0x4e: {  	[tilespmem:s16], [sflag:$0x2] =	stream.indirect_vreg.gather [hbm4b:s6+s3], $0x80, v3, vm0, $0xb8;
	[tilespmem:$0x1C100] =	vst v63  }
0x4f: {  	s18 =	simm.s32 $0x7900  }
0x50: {  	[tilespmem:s18], [sflag:$0x2] =	stream.indirect_vreg.gather [hbm4b:s7+s3], $0x80, v3, vm0, $0xb8;
	[tilespmem:$0x1C100] =	vst v63  }
0x51: {  	v3 =	vld [tilespmem:$0x20];
	_ =	sdelay $0x4  }
0x52: {  	v50 =	vshll.u32 v3, $0x3  }
0x53: {  	v3 =	vand.u32 $0x7, v3;
	v4 =	vand.u32 $0xFFFFFFC0, v50  }
0x54: {  	v3 =	vor.u32 v3, v4  }
0x55: {  	v4 =	vperm.xlane v3, v0;
	_ =	sdelay $0x1  }
0x56: {  	v4 =	vadd.s32 v1, v4;
	_ =	sdelay $0x4  }
0x57: {  	[tilespmem:s14], [sflag:$0x3] =	stream.indirect_vreg.gather [hbm4b:s2+s3], $0x80, v4, vm0, $0xb8;
	[tilespmem:$0x1C100] =	vst v63  }
0x58: {  	v3 =	vperm.xlane v3, v2  }
0x59: {  	[tilespmem:s28], [sflag:$0x3] =	stream.indirect_vreg.gather [hbm4b:s5+s3], $0x80, v4, vm0, $0xb8;
	[tilespmem:$0x1C100] =	vst v63  }
0x5a: {  	s18 =	simm.s32 $0x9100;
	v3 =	vadd.s32 v1, v3  }
0x5b: {  	[tilespmem:s18], [sflag:$0x3] =	stream.indirect_vreg.gather [hbm4b:s6+s3], $0x80, v4, vm0, $0xb8;
	[tilespmem:$0x1C100] =	vst v63  }
0x5c: {  	s25 =	simm.s32 $0x9900  }
0x5d: {  	[tilespmem:s25], [sflag:$0x3] =	stream.indirect_vreg.gather [hbm4b:s7+s3], $0x80, v4, vm0, $0xb8;
	[tilespmem:$0x1C100] =	vst v63  }
0x5e: {  	s26 =	simm.s32 $0xA100  }
0x5f: {  	[tilespmem:s26], [sflag:$0x3] =	stream.indirect_vreg.gather [hbm4b:s2+s3], $0x80, v3, vm0, $0xb8;
	[tilespmem:$0x1C100] =	vst v63  }
0x60: {  	_ = 	snop  }
0x61: {  	[tilespmem:s29], [sflag:$0x3] =	stream.indirect_vreg.gather [hbm4b:s5+s3], $0x80, v3, vm0, $0xb8;
	[tilespmem:$0x1C100] =	vst v63  }
0x62: {  	_ = 	snop  }
0x63: {  	[tilespmem:s31], [sflag:$0x3] =	stream.indirect_vreg.gather [hbm4b:s6+s3], $0x80, v3, vm0, $0xb8;
	[tilespmem:$0x1C100] =	vst v63  }
0x64: {  	s16 =	simm.s32 $0xB900  }
0x65: {  	[tilespmem:s16], [sflag:$0x3] =	stream.indirect_vreg.gather [hbm4b:s7+s3], $0x80, v3, vm0, $0xb8;
	[tilespmem:$0x1C100] =	vst v63  }
0x66: {  	v3 =	vld [tilespmem:$0x30];
	_ =	sdelay $0x4  }
0x67: {  	v51 =	vshll.u32 v3, $0x3  }
0x68: {  	v3 =	vand.u32 $0x7, v3;
	v4 =	vand.u32 $0xFFFFFFC0, v51  }
0x69: {  	v3 =	vor.u32 v3, v4  }
0x6a: {  	v4 =	vperm.xlane v3, v0;
	_ =	sdelay $0x1  }
0x6b: {  	v4 =	vadd.s32 v1, v4;
	_ =	sdelay $0x4  }
0x6c: {  	[tilespmem:s17], [sflag:$0x4] =	stream.indirect_vreg.gather [hbm4b:s2+s3], $0x80, v4, vm0, $0xb8;
	[tilespmem:$0x1C100] =	vst v63  }
0x6d: {  	s23 =	simm.s32 $0xC900;
	v3 =	vperm.xlane v3, v2  }
0x6e: {  	[tilespmem:s23], [sflag:$0x4] =	stream.indirect_vreg.gather [hbm4b:s5+s3], $0x80, v4, vm0, $0xb8;
	[tilespmem:$0x1C100] =	vst v63  }
0x6f: {  	s24 =	simm.s32 $0xD100;
	v3 =	vadd.s32 v1, v3  }
0x70: {  	[tilespmem:s24], [sflag:$0x4] =	stream.indirect_vreg.gather [hbm4b:s6+s3], $0x80, v4, vm0, $0xb8;
	[tilespmem:$0x1C100] =	vst v63  }
0x71: {  	s22 =	simm.s32 $0xD900  }
0x72: {  	[tilespmem:s22], [sflag:$0x4] =	stream.indirect_vreg.gather [hbm4b:s7+s3], $0x80, v4, vm0, $0xb8;
	[tilespmem:$0x1C100] =	vst v63  }
0x73: {  	s22 =	simm.s32 $0xE100  }
0x74: {  	[tilespmem:s22], [sflag:$0x4] =	stream.indirect_vreg.gather [hbm4b:s2+s3], $0x80, v3, vm0, $0xb8;
	[tilespmem:$0x1C100] =	vst v63  }
0x75: {  	s22 =	simm.s32 $0xE900  }
0x76: {  	[tilespmem:s22], [sflag:$0x4] =	stream.indirect_vreg.gather [hbm4b:s5+s3], $0x80, v3, vm0, $0xb8;
	[tilespmem:$0x1C100] =	vst v63  }
0x77: {  	s22 =	simm.s32 $0xF100  }
0x78: {  	[tilespmem:s22], [sflag:$0x4] =	stream.indirect_vreg.gather [hbm4b:s6+s3], $0x80, v3, vm0, $0xb8;
	[tilespmem:$0x1C100] =	vst v63  }
0x79: {  	s22 =	simm.s32 $0xF900  }
0x7a: {  	[tilespmem:s22], [sflag:$0x4] =	stream.indirect_vreg.gather [hbm4b:s7+s3], $0x80, v3, vm0, $0xb8;
	[tilespmem:$0x1C100] =	vst v63  }
0x7b: {  	v3 =	vld [tilespmem:$0x40];
	_ =	sdelay $0x4  }
0x7c: {  	v52 =	vshll.u32 v3, $0x3  }
0x7d: {  	v3 =	vand.u32 $0x7, v3;
	v4 =	vand.u32 $0xFFFFFFC0, v52  }
0x7e: {  	v3 =	vor.u32 v3, v4  }
0x7f: {  	v4 =	vperm.xlane v3, v0;
	_ =	sdelay $0x1  }
0x80: {  	v4 =	vadd.s32 v1, v4;
	_ =	sdelay $0x4  }
0x81: {  	[tilespmem:s20], [sflag:$0x5] =	stream.indirect_vreg.gather [hbm4b:s2+s3], $0x80, v4, vm0, $0xb8;
	[tilespmem:$0x1C100] =	vst v63  }
0x82: {  	s22 =	simm.s32 $0x10900;
	v3 =	vperm.xlane v3, v2  }
0x83: {  	[tilespmem:s22], [sflag:$0x5] =	stream.indirect_vreg.gather [hbm4b:s5+s3], $0x80, v4, vm0, $0xb8;
	[tilespmem:$0x1C100] =	vst v63  }
0x84: {  	v3 =	vadd.s32 v1, v3;
	s22 =	simm.s32 $0x11100  }
0x85: {  	[tilespmem:s22], [sflag:$0x5] =	stream.indirect_vreg.gather [hbm4b:s6+s3], $0x80, v4, vm0, $0xb8;
	[tilespmem:$0x1C100] =	vst v63  }
0x86: {  	s22 =	simm.s32 $0x11900  }
0x87: {  	[tilespmem:s22], [sflag:$0x5] =	stream.indirect_vreg.gather [hbm4b:s7+s3], $0x80, v4, vm0, $0xb8;
	[tilespmem:$0x1C100] =	vst v63  }
0x88: {  	s22 =	simm.s32 $0x12100  }
0x89: {  	[tilespmem:s22], [sflag:$0x5] =	stream.indirect_vreg.gather [hbm4b:s2+s3], $0x80, v3, vm0, $0xb8;
	[tilespmem:$0x1C100] =	vst v63  }
0x8a: {  	s22 =	simm.s32 $0x12900  }
0x8b: {  	[tilespmem:s22], [sflag:$0x5] =	stream.indirect_vreg.gather [hbm4b:s5+s3], $0x80, v3, vm0, $0xb8;
	[tilespmem:$0x1C100] =	vst v63  }
0x8c: {  	s22 =	simm.s32 $0x13100  }
0x8d: {  	[tilespmem:s22], [sflag:$0x5] =	stream.indirect_vreg.gather [hbm4b:s6+s3], $0x80, v3, vm0, $0xb8;
	[tilespmem:$0x1C100] =	vst v63  }
0x8e: {  	s22 =	simm.s32 $0x13900  }
0x8f: {  	[tilespmem:s22], [sflag:$0x5] =	stream.indirect_vreg.gather [hbm4b:s7+s3], $0x80, v3, vm0, $0xb8;
	[tilespmem:$0x1C100] =	vst v63  }
0x90: {  	v3 =	vld [tilespmem:$0x50];
	_ =	sdelay $0x4  }
0x91: {  	v53 =	vshll.u32 v3, $0x3  }
0x92: {  	v3 =	vand.u32 $0x7, v3;
	v4 =	vand.u32 $0xFFFFFFC0, v53  }
0x93: {  	v3 =	vor.u32 v3, v4  }
0x94: {  	v4 =	vperm.xlane v3, v0;
	_ =	sdelay $0x1  }
0x95: {  	v4 =	vadd.s32 v1, v4;
	_ =	sdelay $0x4  }
0x96: {  	[tilespmem:s15], [sflag:$0x6] =	stream.indirect_vreg.gather [hbm4b:s2+s3], $0x80, v4, vm0, $0xb8;
	[tilespmem:$0x1C100] =	vst v63  }
0x97: {  	s22 =	simm.s32 $0x14900;
	v3 =	vperm.xlane v3, v2  }
0x98: {  	[tilespmem:s22], [sflag:$0x6] =	stream.indirect_vreg.gather [hbm4b:s5+s3], $0x80, v4, vm0, $0xb8;
	[tilespmem:$0x1C100] =	vst v63  }
0x99: {  	v3 =	vadd.s32 v1, v3;
	s22 =	simm.s32 $0x15100  }
0x9a: {  	[tilespmem:s22], [sflag:$0x6] =	stream.indirect_vreg.gather [hbm4b:s6+s3], $0x80, v4, vm0, $0xb8;
	[tilespmem:$0x1C100] =	vst v63  }
0x9b: {  	s22 =	simm.s32 $0x15900  }
0x9c: {  	[tilespmem:s22], [sflag:$0x6] =	stream.indirect_vreg.gather [hbm4b:s7+s3], $0x80, v4, vm0, $0xb8;
	[tilespmem:$0x1C100] =	vst v63  }
0x9d: {  	s22 =	simm.s32 $0x16100  }
0x9e: {  	[tilespmem:s22], [sflag:$0x6] =	stream.indirect_vreg.gather [hbm4b:s2+s3], $0x80, v3, vm0, $0xb8;
	[tilespmem:$0x1C100] =	vst v63  }
0x9f: {  	s22 =	simm.s32 $0x16900  }
0xa0: {  	[tilespmem:s22], [sflag:$0x6] =	stream.indirect_vreg.gather [hbm4b:s5+s3], $0x80, v3, vm0, $0xb8;
	[tilespmem:$0x1C100] =	vst v63  }
0xa1: {  	s22 =	simm.s32 $0x17100  }
0xa2: {  	[tilespmem:s22], [sflag:$0x6] =	stream.indirect_vreg.gather [hbm4b:s6+s3], $0x80, v3, vm0, $0xb8;
	[tilespmem:$0x1C100] =	vst v63  }
0xa3: {  	s22 =	simm.s32 $0x17900  }
0xa4: {  	[tilespmem:s22], [sflag:$0x6] =	stream.indirect_vreg.gather [hbm4b:s7+s3], $0x80, v3, vm0, $0xb8;
	[tilespmem:$0x1C100] =	vst v63  }
0xa5: {  	v3 =	vld [tilespmem:$0x60];
	_ =	sdelay $0x4  }
0xa6: {  	v54 =	vshll.u32 v3, $0x3  }
0xa7: {  	v3 =	vand.u32 $0x7, v3;
	v4 =	vand.u32 $0xFFFFFFC0, v54  }
0xa8: {  	v3 =	vor.u32 v3, v4  }
0xa9: {  	v4 =	vperm.xlane v3, v0;
	_ =	sdelay $0x1  }
0xaa: {  	v4 =	vadd.s32 v1, v4;
	_ =	sdelay $0x4  }
0xab: {  	[tilespmem:s13], [sflag:$0x7] =	stream.indirect_vreg.gather [hbm4b:s2+s3], $0x80, v4, vm0, $0xb8;
	[tilespmem:$0x1C100] =	vst v63  }
0xac: {  	s22 =	simm.s32 $0x18900;
	v3 =	vperm.xlane v3, v2  }
0xad: {  	[tilespmem:s22], [sflag:$0x7] =	stream.indirect_vreg.gather [hbm4b:s5+s3], $0x80, v4, vm0, $0xb8;
	[tilespmem:$0x1C100] =	vst v63  }
0xae: {  	v3 =	vadd.s32 v1, v3;
	s22 =	simm.s32 $0x19100  }
0xaf: {  	[tilespmem:s22], [sflag:$0x7] =	stream.indirect_vreg.gather [hbm4b:s6+s3], $0x80, v4, vm0, $0xb8;
	[tilespmem:$0x1C100] =	vst v63  }
0xb0: {  	s22 =	simm.s32 $0x19900  }
0xb1: {  	[tilespmem:s22], [sflag:$0x7] =	stream.indirect_vreg.gather [hbm4b:s7+s3], $0x80, v4, vm0, $0xb8;
	[tilespmem:$0x1C100] =	vst v63  }
0xb2: {  	s22 =	simm.s32 $0x1A100  }
0xb3: {  	[tilespmem:s22], [sflag:$0x7] =	stream.indirect_vreg.gather [hbm4b:s2+s3], $0x80, v3, vm0, $0xb8;
	[tilespmem:$0x1C100] =	vst v63  }
0xb4: {  	s22 =	simm.s32 $0x1A900  }
0xb5: {  	[tilespmem:s22], [sflag:$0x7] =	stream.indirect_vreg.gather [hbm4b:s5+s3], $0x80, v3, vm0, $0xb8;
	[tilespmem:$0x1C100] =	vst v63  }
0xb6: {  	s22 =	simm.s32 $0x1B100  }
0xb7: {  	[tilespmem:s22], [sflag:$0x7] =	stream.indirect_vreg.gather [hbm4b:s6+s3], $0x80, v3, vm0, $0xb8;
	[tilespmem:$0x1C100] =	vst v63  }
0xb8: {  	s22 =	simm.s32 $0x1B900  }
0xb9: {  	[tilespmem:s22], [sflag:$0x7] =	stream.indirect_vreg.gather [hbm4b:s7+s3], $0x80, v3, vm0, $0xb8;
	[tilespmem:$0x1C100] =	vst v63  }
0xba: {  	_ =	swait.ge [sflag:s21], $0x4000  }
0xbb: {  	[sflag:s21] =	ssyncset.done $0x0  }
0xbc: {  	s0 =	rddreg [dreg:$0x16];
	[sflag:s21] =	ssyncadd.s32 $0xFFFFC000  }
0xbd: {  	[hbm4b:s0+s3] =	stream.linear.scatter [tilespmem:s11], [sflag:$0x8], $0x4000, $0x38;
	[tilespmem:$0x1C100] =	vst v63  }
0xbe: {  	_ =	swait.ge [sflag:s30], $0x4000  }
0xbf: {  	[sflag:s30] =	ssyncset.done $0x0  }
0xc0: {  	s0 =	rddreg [dreg:$0x5];
	[sflag:s30] =	ssyncadd.s32 $0xFFFFC000  }
0xc1: {  	[hbm4b:s0+s3] =	stream.linear.scatter [tilespmem:s10], [sflag:$0x9], $0x4000, $0x38;
	[tilespmem:$0x1C100] =	vst v63  }
0xc2: {  	s0 =	simm.s32 $0x3  }
0xc3: {  	_ =	swait.ge [sflag:s0], $0x4000  }
0xc4: {  	[sflag:s0] =	ssyncset.done $0x0  }
0xc5: {  	s22 =	rddreg [dreg:$0x6];
	[sflag:s0] =	ssyncadd.s32 $0xFFFFC000  }
0xc6: {  	[hbm4b:s22+s3] =	stream.linear.scatter [tilespmem:s14], [sflag:$0xA], $0x4000, $0x38;
	[tilespmem:$0x1C100] =	vst v63  }
0xc7: {  	_ =	swait.ge [sflag:s9], $0x4000  }
0xc8: {  	[sflag:s9] =	ssyncset.done $0x0  }
0xc9: {  	[sflag:s9] =	ssyncadd.s32 $0xFFFFC000  }
0xca: {  	v3 =	vld [tilespmem:$0x70];
	_ =	sdelay $0x4  }
0xcb: {  	v55 =	vshll.u32 v3, $0x3  }
0xcc: {  	v3 =	vand.u32 $0x7, v3;
	v4 =	vand.u32 $0xFFFFFFC0, v55  }
0xcd: {  	v3 =	vor.u32 v3, v4  }
0xce: {  	v4 =	vperm.xlane v3, v0;
	_ =	sdelay $0x1  }
0xcf: {  	v4 =	vadd.s32 v1, v4;
	_ =	sdelay $0x4  }
0xd0: {  	[tilespmem:s11], [sflag:$0x1] =	stream.indirect_vreg.gather [hbm4b:s2+s3], $0x80, v4, vm0, $0xb8;
	[tilespmem:$0x1C100] =	vst v63  }
0xd1: {  	s1 =	simm.s32 $0x900;
	v3 =	vperm.xlane v3, v2  }
0xd2: {  	[tilespmem:s1], [sflag:$0x1] =	stream.indirect_vreg.gather [hbm4b:s5+s3], $0x80, v4, vm0, $0xb8;
	[tilespmem:$0x1C100] =	vst v63  }
0xd3: {  	s22 =	simm.s32 $0x1100;
	v3 =	vadd.s32 v1, v3  }
0xd4: {  	[tilespmem:s22], [sflag:$0x1] =	stream.indirect_vreg.gather [hbm4b:s6+s3], $0x80, v4, vm0, $0xb8;
	[tilespmem:$0x1C100] =	vst v63  }
0xd5: {  	s22 =	simm.s32 $0x1900  }
0xd6: {  	[tilespmem:s22], [sflag:$0x1] =	stream.indirect_vreg.gather [hbm4b:s7+s3], $0x80, v4, vm0, $0xb8;
	[tilespmem:$0x1C100] =	vst v63  }
0xd7: {  	s19 =	simm.s32 $0x2100  }
0xd8: {  	[tilespmem:s19], [sflag:$0x1] =	stream.indirect_vreg.gather [hbm4b:s2+s3], $0x80, v3, vm0, $0xb8;
	[tilespmem:$0x1C100] =	vst v63  }
0xd9: {  	s19 =	simm.s32 $0x2900  }
0xda: {  	[tilespmem:s19], [sflag:$0x1] =	stream.indirect_vreg.gather [hbm4b:s5+s3], $0x80, v3, vm0, $0xb8;
	[tilespmem:$0x1C100] =	vst v63  }
0xdb: {  	s22 =	simm.s32 $0x3100  }
0xdc: {  	[tilespmem:s22], [sflag:$0x1] =	stream.indirect_vreg.gather [hbm4b:s6+s3], $0x80, v3, vm0, $0xb8;
	[tilespmem:$0x1C100] =	vst v63  }
0xdd: {  	s4 =	simm.s32 $0x3900;
	s1 =	simm.s32 $0x4  }
0xde: {  	[tilespmem:s4], [sflag:$0x1] =	stream.indirect_vreg.gather [hbm4b:s7+s3], $0x80, v3, vm0, $0xb8;
	[tilespmem:$0x1C100] =	vst v63  }
0xdf: {  	_ =	swait.ge [sflag:s1], $0x4000  }
0xe0: {  	[sflag:s1] =	ssyncset.done $0x0  }
0xe1: {  	s19 =	rddreg [dreg:$0x7];
	[sflag:s1] =	ssyncadd.s32 $0xFFFFC000  }
0xe2: {  	[hbm4b:s19+s3] =	stream.linear.scatter [tilespmem:s17], [sflag:$0xB], $0x4000, $0x38;
	[tilespmem:$0x1C100] =	vst v63  }
0xe3: {  	_ =	swait.ge [sflag:s12], $0x4000  }
0xe4: {  	[sflag:s12] =	ssyncset.done $0x0  }
0xe5: {  	[sflag:s12] =	ssyncadd.s32 $0xFFFFC000  }
0xe6: {  	v3 =	vld [tilespmem:$0x80];
	_ =	sdelay $0x4  }
0xe7: {  	v56 =	vshll.u32 v3, $0x3  }
0xe8: {  	v3 =	vand.u32 $0x7, v3;
	v4 =	vand.u32 $0xFFFFFFC0, v56  }
0xe9: {  	v3 =	vor.u32 v3, v4  }
0xea: {  	v4 =	vperm.xlane v3, v0;
	_ =	sdelay $0x1  }
0xeb: {  	v4 =	vadd.s32 v1, v4;
	_ =	sdelay $0x4  }
0xec: {  	[tilespmem:s10], [sflag:$0x2] =	stream.indirect_vreg.gather [hbm4b:s2+s3], $0x80, v4, vm0, $0xb8;
	[tilespmem:$0x1C100] =	vst v63  }
0xed: {  	s22 =	simm.s32 $0x4900;
	v3 =	vperm.xlane v3, v2  }
0xee: {  	[tilespmem:s22], [sflag:$0x2] =	stream.indirect_vreg.gather [hbm4b:s5+s3], $0x80, v4, vm0, $0xb8;
	[tilespmem:$0x1C100] =	vst v63  }
0xef: {  	s19 =	simm.s32 $0x5100;
	v3 =	vadd.s32 v1, v3  }
0xf0: {  	[tilespmem:s19], [sflag:$0x2] =	stream.indirect_vreg.gather [hbm4b:s6+s3], $0x80, v4, vm0, $0xb8;
	[tilespmem:$0x1C100] =	vst v63  }
0xf1: {  	s22 =	simm.s32 $0x5900  }
0xf2: {  	[tilespmem:s22], [sflag:$0x2] =	stream.indirect_vreg.gather [hbm4b:s7+s3], $0x80, v4, vm0, $0xb8;
	[tilespmem:$0x1C100] =	vst v63  }
0xf3: {  	s19 =	simm.s32 $0x6100  }
0xf4: {  	[tilespmem:s19], [sflag:$0x2] =	stream.indirect_vreg.gather [hbm4b:s2+s3], $0x80, v3, vm0, $0xb8;
	[tilespmem:$0x1C100] =	vst v63  }
0xf5: {  	s22 =	simm.s32 $0x6900  }
0xf6: {  	[tilespmem:s22], [sflag:$0x2] =	stream.indirect_vreg.gather [hbm4b:s5+s3], $0x80, v3, vm0, $0xb8;
	[tilespmem:$0x1C100] =	vst v63  }
0xf7: {  	s19 =	simm.s32 $0x7100  }
0xf8: {  	[tilespmem:s19], [sflag:$0x2] =	stream.indirect_vreg.gather [hbm4b:s6+s3], $0x80, v3, vm0, $0xb8;
	[tilespmem:$0x1C100] =	vst v63  }
0xf9: {  	s4 =	simm.s32 $0x5;
	s22 =	simm.s32 $0x7900  }
0xfa: {  	[tilespmem:s22], [sflag:$0x2] =	stream.indirect_vreg.gather [hbm4b:s7+s3], $0x80, v3, vm0, $0xb8;
	[tilespmem:$0x1C100] =	vst v63  }
0xfb: {  	_ =	swait.ge [sflag:s4], $0x4000  }
0xfc: {  	[sflag:s4] =	ssyncset.done $0x0  }
0xfd: {  	s19 =	rddreg [dreg:$0x8];
	[sflag:s4] =	ssyncadd.s32 $0xFFFFC000  }
0xfe: {  	[hbm4b:s19+s3] =	stream.linear.scatter [tilespmem:s20], [sflag:$0xC], $0x4000, $0x38;
	[tilespmem:$0x1C100] =	vst v63  }
0xff: {  	s19 =	simm.s32 $0xA  }
0x100: {  	_ =	swait.ge [sflag:s19], $0x4000  }
0x101: {  	[sflag:s19] =	ssyncset.done $0x0  }
0x102: {  	[sflag:s19] =	ssyncadd.s32 $0xFFFFC000  }
0x103: {  	v3 =	vld [tilespmem:$0x90];
	_ =	sdelay $0x4  }
0x104: {  	v57 =	vshll.u32 v3, $0x3  }
0x105: {  	v3 =	vand.u32 $0x7, v3;
	v4 =	vand.u32 $0xFFFFFFC0, v57  }
0x106: {  	v3 =	vor.u32 v3, v4  }
0x107: {  	v4 =	vperm.xlane v3, v0;
	_ =	sdelay $0x1  }
0x108: {  	v4 =	vadd.s32 v1, v4;
	_ =	sdelay $0x4  }
0x109: {  	[tilespmem:s14], [sflag:$0x3] =	stream.indirect_vreg.gather [hbm4b:s2+s3], $0x80, v4, vm0, $0xb8;
	[tilespmem:$0x1C100] =	vst v63  }
0x10a: {  	v3 =	vperm.xlane v3, v2  }
0x10b: {  	[tilespmem:s28], [sflag:$0x3] =	stream.indirect_vreg.gather [hbm4b:s5+s3], $0x80, v4, vm0, $0xb8;
	[tilespmem:$0x1C100] =	vst v63  }
0x10c: {  	v3 =	vadd.s32 v1, v3  }
0x10d: {  	[tilespmem:s18], [sflag:$0x3] =	stream.indirect_vreg.gather [hbm4b:s6+s3], $0x80, v4, vm0, $0xb8;
	[tilespmem:$0x1C100] =	vst v63  }
0x10e: {  	_ = 	snop  }
0x10f: {  	[tilespmem:s25], [sflag:$0x3] =	stream.indirect_vreg.gather [hbm4b:s7+s3], $0x80, v4, vm0, $0xb8;
	[tilespmem:$0x1C100] =	vst v63  }
0x110: {  	_ = 	snop  }
0x111: {  	[tilespmem:s26], [sflag:$0x3] =	stream.indirect_vreg.gather [hbm4b:s2+s3], $0x80, v3, vm0, $0xb8;
	[tilespmem:$0x1C100] =	vst v63  }
0x112: {  	_ = 	snop  }
0x113: {  	[tilespmem:s29], [sflag:$0x3] =	stream.indirect_vreg.gather [hbm4b:s5+s3], $0x80, v3, vm0, $0xb8;
	[tilespmem:$0x1C100] =	vst v63  }
0x114: {  	_ = 	snop  }
0x115: {  	[tilespmem:s31], [sflag:$0x3] =	stream.indirect_vreg.gather [hbm4b:s6+s3], $0x80, v3, vm0, $0xb8;
	[tilespmem:$0x1C100] =	vst v63  }
0x116: {  	_ = 	snop  }
0x117: {  	[tilespmem:s16], [sflag:$0x3] =	stream.indirect_vreg.gather [hbm4b:s7+s3], $0x80, v3, vm0, $0xb8;
	[tilespmem:$0x1C100] =	vst v63  }
0x118: {  	s16 =	simm.s32 $0x6  }
0x119: {  	_ =	swait.ge [sflag:s16], $0x4000  }
0x11a: {  	[sflag:s16] =	ssyncset.done $0x0  }
0x11b: {  	s18 =	rddreg [dreg:$0x9];
	[sflag:s16] =	ssyncadd.s32 $0xFFFFC000  }
0x11c: {  	[hbm4b:s18+s3] =	stream.linear.scatter [tilespmem:s15], [sflag:$0xD], $0x4000, $0x38;
	[tilespmem:$0x1C100] =	vst v63  }
0x11d: {  	s18 =	simm.s32 $0xB  }
0x11e: {  	_ =	swait.ge [sflag:s18], $0x4000  }
0x11f: {  	[sflag:s18] =	ssyncset.done $0x0  }
0x120: {  	[sflag:s18] =	ssyncadd.s32 $0xFFFFC000  }
0x121: {  	v3 =	vld [tilespmem:$0xA0];
	_ =	sdelay $0x4  }
0x122: {  	v58 =	vshll.u32 v3, $0x3  }
0x123: {  	v3 =	vand.u32 $0x7, v3;
	v4 =	vand.u32 $0xFFFFFFC0, v58  }
0x124: {  	v3 =	vor.u32 v3, v4  }
0x125: {  	v4 =	vperm.xlane v3, v0;
	_ =	sdelay $0x1  }
0x126: {  	v4 =	vadd.s32 v1, v4;
	_ =	sdelay $0x4  }
0x127: {  	[tilespmem:s17], [sflag:$0x4] =	stream.indirect_vreg.gather [hbm4b:s2+s3], $0x80, v4, vm0, $0xb8;
	[tilespmem:$0x1C100] =	vst v63  }
0x128: {  	v3 =	vperm.xlane v3, v2  }
0x129: {  	[tilespmem:s23], [sflag:$0x4] =	stream.indirect_vreg.gather [hbm4b:s5+s3], $0x80, v4, vm0, $0xb8;
	[tilespmem:$0x1C100] =	vst v63  }
0x12a: {  	v3 =	vadd.s32 v1, v3  }
0x12b: {  	[tilespmem:s24], [sflag:$0x4] =	stream.indirect_vreg.gather [hbm4b:s6+s3], $0x80, v4, vm0, $0xb8;
	[tilespmem:$0x1C100] =	vst v63  }
0x12c: {  	s24 =	simm.s32 $0xD900  }
0x12d: {  	[tilespmem:s24], [sflag:$0x4] =	stream.indirect_vreg.gather [hbm4b:s7+s3], $0x80, v4, vm0, $0xb8;
	[tilespmem:$0x1C100] =	vst v63  }
0x12e: {  	s25 =	simm.s32 $0xE100  }
0x12f: {  	[tilespmem:s25], [sflag:$0x4] =	stream.indirect_vreg.gather [hbm4b:s2+s3], $0x80, v3, vm0, $0xb8;
	[tilespmem:$0x1C100] =	vst v63  }
0x130: {  	s26 =	simm.s32 $0xE900  }
0x131: {  	[tilespmem:s26], [sflag:$0x4] =	stream.indirect_vreg.gather [hbm4b:s5+s3], $0x80, v3, vm0, $0xb8;
	[tilespmem:$0x1C100] =	vst v63  }
0x132: {  	s23 =	simm.s32 $0xF100  }
0x133: {  	[tilespmem:s23], [sflag:$0x4] =	stream.indirect_vreg.gather [hbm4b:s6+s3], $0x80, v3, vm0, $0xb8;
	[tilespmem:$0x1C100] =	vst v63  }
0x134: {  	s24 =	simm.s32 $0xF900;
	s23 =	simm.s32 $0x7  }
0x135: {  	[tilespmem:s24], [sflag:$0x4] =	stream.indirect_vreg.gather [hbm4b:s7+s3], $0x80, v3, vm0, $0xb8;
	[tilespmem:$0x1C100] =	vst v63  }
0x136: {  	_ =	swait.ge [sflag:s23], $0x4000  }
0x137: {  	[sflag:s23] =	ssyncset.done $0x0  }
0x138: {  	s24 =	simm.s32 $0xC;
	s25 =	rddreg [dreg:$0xa];
	[sflag:s23] =	ssyncadd.s32 $0xFFFFC000  }
0x139: {  	[hbm4b:s25+s3] =	stream.linear.scatter [tilespmem:s13], [sflag:$0xE], $0x4000, $0x38;
	[tilespmem:$0x1C100] =	vst v63  }
0x13a: {  	_ =	swait.ge [sflag:s24], $0x4000  }
0x13b: {  	[sflag:s24] =	ssyncset.done $0x0  }
0x13c: {  	[sflag:s24] =	ssyncadd.s32 $0xFFFFC000  }
0x13d: {  	v3 =	vld [tilespmem:$0xB0];
	_ =	sdelay $0x4  }
0x13e: {  	v59 =	vshll.u32 v3, $0x3  }
0x13f: {  	v3 =	vand.u32 $0x7, v3;
	v4 =	vand.u32 $0xFFFFFFC0, v59  }
0x140: {  	v3 =	vor.u32 v3, v4  }
0x141: {  	v4 =	vperm.xlane v3, v0;
	_ =	sdelay $0x1  }
0x142: {  	v4 =	vadd.s32 v1, v4;
	_ =	sdelay $0x4  }
0x143: {  	[tilespmem:s20], [sflag:$0x5] =	stream.indirect_vreg.gather [hbm4b:s2+s3], $0x80, v4, vm0, $0xb8;
	[tilespmem:$0x1C100] =	vst v63  }
0x144: {  	s26 =	simm.s32 $0x10900;
	v3 =	vperm.xlane v3, v2  }
0x145: {  	[tilespmem:s26], [sflag:$0x5] =	stream.indirect_vreg.gather [hbm4b:s5+s3], $0x80, v4, vm0, $0xb8;
	[tilespmem:$0x1C100] =	vst v63  }
0x146: {  	s25 =	simm.s32 $0x11100;
	v3 =	vadd.s32 v1, v3  }
0x147: {  	[tilespmem:s25], [sflag:$0x5] =	stream.indirect_vreg.gather [hbm4b:s6+s3], $0x80, v4, vm0, $0xb8;
	[tilespmem:$0x1C100] =	vst v63  }
0x148: {  	s26 =	simm.s32 $0x11900  }
0x149: {  	[tilespmem:s26], [sflag:$0x5] =	stream.indirect_vreg.gather [hbm4b:s7+s3], $0x80, v4, vm0, $0xb8;
	[tilespmem:$0x1C100] =	vst v63  }
0x14a: {  	s25 =	simm.s32 $0x12100  }
0x14b: {  	[tilespmem:s25], [sflag:$0x5] =	stream.indirect_vreg.gather [hbm4b:s2+s3], $0x80, v3, vm0, $0xb8;
	[tilespmem:$0x1C100] =	vst v63  }
0x14c: {  	s26 =	simm.s32 $0x12900  }
0x14d: {  	[tilespmem:s26], [sflag:$0x5] =	stream.indirect_vreg.gather [hbm4b:s5+s3], $0x80, v3, vm0, $0xb8;
	[tilespmem:$0x1C100] =	vst v63  }
0x14e: {  	s25 =	simm.s32 $0x13100  }
0x14f: {  	[tilespmem:s25], [sflag:$0x5] =	stream.indirect_vreg.gather [hbm4b:s6+s3], $0x80, v3, vm0, $0xb8;
	[tilespmem:$0x1C100] =	vst v63  }
0x150: {  	s26 =	simm.s32 $0x13900  }
0x151: {  	[tilespmem:s26], [sflag:$0x5] =	stream.indirect_vreg.gather [hbm4b:s7+s3], $0x80, v3, vm0, $0xb8;
	[tilespmem:$0x1C100] =	vst v63  }
0x152: {  	_ =	swait.ge [sflag:s21], $0x4000  }
0x153: {  	[sflag:s21] =	ssyncset.done $0x0  }
0x154: {  	s25 =	rddreg [dreg:$0xb];
	[sflag:s21] =	ssyncadd.s32 $0xFFFFC000  }
0x155: {  	[hbm4b:s25+s3] =	stream.linear.scatter [tilespmem:s11], [sflag:$0x8], $0x4000, $0x38;
	[tilespmem:$0x1C100] =	vst v63  }
0x156: {  	s25 =	simm.s32 $0xD  }
0x157: {  	_ =	swait.ge [sflag:s25], $0x4000  }
0x158: {  	[sflag:s25] =	ssyncset.done $0x0  }
0x159: {  	[sflag:s25] =	ssyncadd.s32 $0xFFFFC000  }
0x15a: {  	v3 =	vld [tilespmem:$0xC0];
	_ =	sdelay $0x4  }
0x15b: {  	v60 =	vshll.u32 v3, $0x3  }
0x15c: {  	v3 =	vand.u32 $0x7, v3;
	v4 =	vand.u32 $0xFFFFFFC0, v60  }
0x15d: {  	v3 =	vor.u32 v3, v4  }
0x15e: {  	v4 =	vperm.xlane v3, v0;
	_ =	sdelay $0x1  }
0x15f: {  	v4 =	vadd.s32 v1, v4;
	_ =	sdelay $0x4  }
0x160: {  	[tilespmem:s15], [sflag:$0x6] =	stream.indirect_vreg.gather [hbm4b:s2+s3], $0x80, v4, vm0, $0xb8;
	[tilespmem:$0x1C100] =	vst v63  }
0x161: {  	s26 =	simm.s32 $0x14900;
	v3 =	vperm.xlane v3, v2  }
0x162: {  	[tilespmem:s26], [sflag:$0x6] =	stream.indirect_vreg.gather [hbm4b:s5+s3], $0x80, v4, vm0, $0xb8;
	[tilespmem:$0x1C100] =	vst v63  }
0x163: {  	v3 =	vadd.s32 v1, v3;
	s26 =	simm.s32 $0x15100  }
0x164: {  	[tilespmem:s26], [sflag:$0x6] =	stream.indirect_vreg.gather [hbm4b:s6+s3], $0x80, v4, vm0, $0xb8;
	[tilespmem:$0x1C100] =	vst v63  }
0x165: {  	s26 =	simm.s32 $0x15900  }
0x166: {  	[tilespmem:s26], [sflag:$0x6] =	stream.indirect_vreg.gather [hbm4b:s7+s3], $0x80, v4, vm0, $0xb8;
	[tilespmem:$0x1C100] =	vst v63  }
0x167: {  	s26 =	simm.s32 $0x16100  }
0x168: {  	[tilespmem:s26], [sflag:$0x6] =	stream.indirect_vreg.gather [hbm4b:s2+s3], $0x80, v3, vm0, $0xb8;
	[tilespmem:$0x1C100] =	vst v63  }
0x169: {  	s26 =	simm.s32 $0x16900  }
0x16a: {  	[tilespmem:s26], [sflag:$0x6] =	stream.indirect_vreg.gather [hbm4b:s5+s3], $0x80, v3, vm0, $0xb8;
	[tilespmem:$0x1C100] =	vst v63  }
0x16b: {  	s26 =	simm.s32 $0x17100  }
0x16c: {  	[tilespmem:s26], [sflag:$0x6] =	stream.indirect_vreg.gather [hbm4b:s6+s3], $0x80, v3, vm0, $0xb8;
	[tilespmem:$0x1C100] =	vst v63  }
0x16d: {  	s26 =	simm.s32 $0x17900  }
0x16e: {  	[tilespmem:s26], [sflag:$0x6] =	stream.indirect_vreg.gather [hbm4b:s7+s3], $0x80, v3, vm0, $0xb8;
	[tilespmem:$0x1C100] =	vst v63  }
0x16f: {  	_ =	swait.ge [sflag:s30], $0x4000  }
0x170: {  	[sflag:s30] =	ssyncset.done $0x0  }
0x171: {  	s26 =	rddreg [dreg:$0xc];
	[sflag:s30] =	ssyncadd.s32 $0xFFFFC000  }
0x172: {  	[hbm4b:s26+s3] =	stream.linear.scatter [tilespmem:s10], [sflag:$0x9], $0x4000, $0x38;
	[tilespmem:$0x1C100] =	vst v63  }
0x173: {  	s26 =	simm.s32 $0xE  }
0x174: {  	_ =	swait.ge [sflag:s26], $0x4000  }
0x175: {  	[sflag:s26] =	ssyncset.done $0x0  }
0x176: {  	[sflag:s26] =	ssyncadd.s32 $0xFFFFC000  }
0x177: {  	v3 =	vld [tilespmem:$0xD0];
	_ =	sdelay $0x4  }
0x178: {  	v61 =	vshll.u32 v3, $0x3  }
0x179: {  	v3 =	vand.u32 $0x7, v3;
	v4 =	vand.u32 $0xFFFFFFC0, v61  }
0x17a: {  	v3 =	vor.u32 v3, v4  }
0x17b: {  	v4 =	vperm.xlane v3, v0;
	_ =	sdelay $0x1  }
0x17c: {  	v4 =	vadd.s32 v1, v4;
	_ =	sdelay $0x4  }
0x17d: {  	[tilespmem:s13], [sflag:$0x7] =	stream.indirect_vreg.gather [hbm4b:s2+s3], $0x80, v4, vm0, $0xb8;
	[tilespmem:$0x1C100] =	vst v63  }
0x17e: {  	s22 =	simm.s32 $0x18900;
	v3 =	vperm.xlane v3, v2  }
0x17f: {  	[tilespmem:s22], [sflag:$0x7] =	stream.indirect_vreg.gather [hbm4b:s5+s3], $0x80, v4, vm0, $0xb8;
	[tilespmem:$0x1C100] =	vst v63  }
0x180: {  	v3 =	vadd.s32 v1, v3;
	s22 =	simm.s32 $0x19100  }
0x181: {  	[tilespmem:s22], [sflag:$0x7] =	stream.indirect_vreg.gather [hbm4b:s6+s3], $0x80, v4, vm0, $0xb8;
	[tilespmem:$0x1C100] =	vst v63  }
0x182: {  	s22 =	simm.s32 $0x19900  }
0x183: {  	[tilespmem:s22], [sflag:$0x7] =	stream.indirect_vreg.gather [hbm4b:s7+s3], $0x80, v4, vm0, $0xb8;
	[tilespmem:$0x1C100] =	vst v63  }
0x184: {  	s22 =	simm.s32 $0x1A100  }
0x185: {  	[tilespmem:s22], [sflag:$0x7] =	stream.indirect_vreg.gather [hbm4b:s2+s3], $0x80, v3, vm0, $0xb8;
	[tilespmem:$0x1C100] =	vst v63  }
0x186: {  	s22 =	simm.s32 $0x1A900  }
0x187: {  	[tilespmem:s22], [sflag:$0x7] =	stream.indirect_vreg.gather [hbm4b:s5+s3], $0x80, v3, vm0, $0xb8;
	[tilespmem:$0x1C100] =	vst v63  }
0x188: {  	s22 =	simm.s32 $0x1B100  }
0x189: {  	[tilespmem:s22], [sflag:$0x7] =	stream.indirect_vreg.gather [hbm4b:s6+s3], $0x80, v3, vm0, $0xb8;
	[tilespmem:$0x1C100] =	vst v63  }
0x18a: {  	s22 =	simm.s32 $0x1B900  }
0x18b: {  	[tilespmem:s22], [sflag:$0x7] =	stream.indirect_vreg.gather [hbm4b:s7+s3], $0x80, v3, vm0, $0xb8;
	[tilespmem:$0x1C100] =	vst v63  }
0x18c: {  	_ =	swait.ge [sflag:s0], $0x4000  }
0x18d: {  	[sflag:s0] =	ssyncset.done $0x0  }
0x18e: {  	s22 =	rddreg [dreg:$0xd];
	[sflag:s0] =	ssyncadd.s32 $0xFFFFC000  }
0x18f: {  	[hbm4b:s22+s3] =	stream.linear.scatter [tilespmem:s14], [sflag:$0xA], $0x4000, $0x38;
	[tilespmem:$0x1C100] =	vst v63  }
0x190: {  	_ =	swait.ge [sflag:s9], $0x4000  }
0x191: {  	[sflag:s9] =	ssyncset.done $0x0  }
0x192: {  	[sflag:s9] =	ssyncadd.s32 $0xFFFFC000  }
0x193: {  	v3 =	vld [tilespmem:$0xE0];
	_ =	sdelay $0x4  }
0x194: {  	v62 =	vshll.u32 v3, $0x3  }
0x195: {  	v3 =	vand.u32 $0x7, v3;
	v4 =	vand.u32 $0xFFFFFFC0, v62  }
0x196: {  	v3 =	vor.u32 v3, v4  }
0x197: {  	v4 =	vperm.xlane v3, v0;
	_ =	sdelay $0x1  }
0x198: {  	v4 =	vadd.s32 v1, v4;
	_ =	sdelay $0x4  }
0x199: {  	[tilespmem:s11], [sflag:$0x1] =	stream.indirect_vreg.gather [hbm4b:s2+s3], $0x80, v4, vm0, $0xb8;
	[tilespmem:$0x1C100] =	vst v63  }
0x19a: {  	s22 =	simm.s32 $0x900;
	v3 =	vperm.xlane v3, v2  }
0x19b: {  	[tilespmem:s22], [sflag:$0x1] =	stream.indirect_vreg.gather [hbm4b:s5+s3], $0x80, v4, vm0, $0xb8;
	[tilespmem:$0x1C100] =	vst v63  }
0x19c: {  	v3 =	vadd.s32 v1, v3;
	s22 =	simm.s32 $0x1100  }
0x19d: {  	[tilespmem:s22], [sflag:$0x1] =	stream.indirect_vreg.gather [hbm4b:s6+s3], $0x80, v4, vm0, $0xb8;
	[tilespmem:$0x1C100] =	vst v63  }
0x19e: {  	s22 =	simm.s32 $0x1900  }
0x19f: {  	[tilespmem:s22], [sflag:$0x1] =	stream.indirect_vreg.gather [hbm4b:s7+s3], $0x80, v4, vm0, $0xb8;
	[tilespmem:$0x1C100] =	vst v63  }
0x1a0: {  	s22 =	simm.s32 $0x2100  }
0x1a1: {  	[tilespmem:s22], [sflag:$0x1] =	stream.indirect_vreg.gather [hbm4b:s2+s3], $0x80, v3, vm0, $0xb8;
	[tilespmem:$0x1C100] =	vst v63  }
0x1a2: {  	s22 =	simm.s32 $0x2900  }
0x1a3: {  	[tilespmem:s22], [sflag:$0x1] =	stream.indirect_vreg.gather [hbm4b:s5+s3], $0x80, v3, vm0, $0xb8;
	[tilespmem:$0x1C100] =	vst v63  }
0x1a4: {  	s22 =	simm.s32 $0x3100  }
0x1a5: {  	[tilespmem:s22], [sflag:$0x1] =	stream.indirect_vreg.gather [hbm4b:s6+s3], $0x80, v3, vm0, $0xb8;
	[tilespmem:$0x1C100] =	vst v63  }
0x1a6: {  	s22 =	simm.s32 $0x3900  }
0x1a7: {  	[tilespmem:s22], [sflag:$0x1] =	stream.indirect_vreg.gather [hbm4b:s7+s3], $0x80, v3, vm0, $0xb8;
	[tilespmem:$0x1C100] =	vst v63  }
0x1a8: {  	_ =	swait.ge [sflag:s1], $0x4000  }
0x1a9: {  	[sflag:s1] =	ssyncset.done $0x0  }
0x1aa: {  	s0 =	rddreg [dreg:$0xe];
	[sflag:s1] =	ssyncadd.s32 $0xFFFFC000  }
0x1ab: {  	[hbm4b:s0+s3] =	stream.linear.scatter [tilespmem:s17], [sflag:$0xB], $0x4000, $0x38;
	[tilespmem:$0x1C100] =	vst v63  }
0x1ac: {  	_ =	swait.ge [sflag:s12], $0x4000  }
0x1ad: {  	[sflag:s12] =	ssyncset.done $0x0  }
0x1ae: {  	[sflag:s12] =	ssyncadd.s32 $0xFFFFC000  }
0x1af: {  	v3 =	vld [tilespmem:$0xF0];
	_ =	sdelay $0x4  }
0x1b0: {  	v63 =	vshll.u32 v3, $0x3  }
0x1b1: {  	v3 =	vand.u32 $0x7, v3;
	v4 =	vand.u32 $0xFFFFFFC0, v63  }
0x1b2: {  	v3 =	vor.u32 v3, v4  }
0x1b3: {  	v4 =	vperm.xlane v3, v0;
	_ =	sdelay $0x1  }
0x1b4: {  	v4 =	vadd.s32 v1, v4;
	_ =	sdelay $0x4  }
0x1b5: {  	[tilespmem:s10], [sflag:$0x2] =	stream.indirect_vreg.gather [hbm4b:s2+s3], $0x80, v4, vm0, $0xb8;
	[tilespmem:$0x1C100] =	vst v63  }
0x1b6: {  	s22 =	simm.s32 $0x4900;
	v3 =	vperm.xlane v3, v2  }
0x1b7: {  	[tilespmem:s22], [sflag:$0x2] =	stream.indirect_vreg.gather [hbm4b:s5+s3], $0x80, v4, vm0, $0xb8;
	[tilespmem:$0x1C100] =	vst v63  }
0x1b8: {  	s1 =	simm.s32 $0x5100;
	v3 =	vadd.s32 v1, v3  }
0x1b9: {  	[tilespmem:s1], [sflag:$0x2] =	stream.indirect_vreg.gather [hbm4b:s6+s3], $0x80, v4, vm0, $0xb8;
	[tilespmem:$0x1C100] =	vst v63  }
0x1ba: {  	s22 =	simm.s32 $0x5900  }
0x1bb: {  	[tilespmem:s22], [sflag:$0x2] =	stream.indirect_vreg.gather [hbm4b:s7+s3], $0x80, v4, vm0, $0xb8;
	[tilespmem:$0x1C100] =	vst v63  }
0x1bc: {  	s1 =	simm.s32 $0x6100  }
0x1bd: {  	[tilespmem:s1], [sflag:$0x2] =	stream.indirect_vreg.gather [hbm4b:s2+s3], $0x80, v3, vm0, $0xb8;
	[tilespmem:$0x1C100] =	vst v63  }
0x1be: {  	s22 =	simm.s32 $0x6900  }
0x1bf: {  	[tilespmem:s22], [sflag:$0x2] =	stream.indirect_vreg.gather [hbm4b:s5+s3], $0x80, v3, vm0, $0xb8;
	[tilespmem:$0x1C100] =	vst v63  }
0x1c0: {  	s1 =	simm.s32 $0x7100  }
0x1c1: {  	[tilespmem:s1], [sflag:$0x2] =	stream.indirect_vreg.gather [hbm4b:s6+s3], $0x80, v3, vm0, $0xb8;
	[tilespmem:$0x1C100] =	vst v63  }
0x1c2: {  	s22 =	simm.s32 $0x7900  }
0x1c3: {  	[tilespmem:s22], [sflag:$0x2] =	stream.indirect_vreg.gather [hbm4b:s7+s3], $0x80, v3, vm0, $0xb8;
	[tilespmem:$0x1C100] =	vst v63  }
0x1c4: {  	_ =	swait.ge [sflag:s4], $0x4000  }
0x1c5: {  	[sflag:s4] =	ssyncset.done $0x0  }
0x1c6: {  	s0 =	rddreg [dreg:$0xf];
	[sflag:s4] =	ssyncadd.s32 $0xFFFFC000  }
0x1c7: {  	[hbm4b:s0+s3] =	stream.linear.scatter [tilespmem:s20], [sflag:$0xC], $0x4000, $0x38;
	[tilespmem:$0x1C100] =	vst v63  }
0x1c8: {  	_ =	swait.ge [sflag:s16], $0x4000  }
0x1c9: {  	[sflag:s16] =	ssyncset.done $0x0  }
0x1ca: {  	s1 =	rddreg [dreg:$0x10];
	[sflag:s16] =	ssyncadd.s32 $0xFFFFC000  }
0x1cb: {  	[hbm4b:s1+s3] =	stream.linear.scatter [tilespmem:s15], [sflag:$0xD], $0x4000, $0x38;
	[tilespmem:$0x1C100] =	vst v63  }
0x1cc: {  	_ =	swait.ge [sflag:s23], $0x4000  }
0x1cd: {  	[sflag:s23] =	ssyncset.done $0x0  }
0x1ce: {  	s4 =	rddreg [dreg:$0x11];
	[sflag:s23] =	ssyncadd.s32 $0xFFFFC000  }
0x1cf: {  	[hbm4b:s4+s3] =	stream.linear.scatter [tilespmem:s13], [sflag:$0xE], $0x4000, $0x38;
	[tilespmem:$0x1C100] =	vst v63  }
0x1d0: {  	_ =	swait.ge [sflag:s21], $0x4000  }
0x1d1: {  	[sflag:s21] =	ssyncset.done $0x0  }
0x1d2: {  	s16 =	rddreg [dreg:$0x12];
	[sflag:s21] =	ssyncadd.s32 $0xFFFFC000  }
0x1d3: {  	[hbm4b:s16+s3] =	stream.linear.scatter [tilespmem:s11], [sflag:$0x8], $0x4000, $0x38;
	[tilespmem:$0x1C100] =	vst v63  }
0x1d4: {  	_ =	swait.ge [sflag:s30], $0x4000  }
0x1d5: {  	[sflag:s30] =	ssyncset.done $0x0  }
0x1d6: {  	s23 =	rddreg [dreg:$0x13];
	[sflag:s30] =	ssyncadd.s32 $0xFFFFC000  }
0x1d7: {  	[hbm4b:s23+s3] =	stream.linear.scatter [tilespmem:s10], [sflag:$0x9], $0x4000, $0x38;
	[tilespmem:$0x1C100] =	vst v63  }
0x1d8: {  	_ =	swait.ge [sflag:s19], $0x4000  }
0x1d9: {  	[sflag:s19] =	ssyncset.done $0x0  }
0x1da: {  	[sflag:s19] =	ssyncadd.s32 $0xFFFFC000  }
0x1db: {  	_ =	swait.ge [sflag:s18], $0x4000  }
0x1dc: {  	[sflag:s18] =	ssyncset.done $0x0  }
0x1dd: {  	[sflag:s18] =	ssyncadd.s32 $0xFFFFC000  }
0x1de: {  	_ =	swait.ge [sflag:s24], $0x4000  }
0x1df: {  	[sflag:s24] =	ssyncset.done $0x0  }
0x1e0: {  	[sflag:s24] =	ssyncadd.s32 $0xFFFFC000  }
0x1e1: {  	_ =	swait.ge [sflag:s25], $0x4000  }
0x1e2: {  	[sflag:s25] =	ssyncset.done $0x0  }
0x1e3: {  	[sflag:s25] =	ssyncadd.s32 $0xFFFFC000  }
0x1e4: {  	_ =	swait.ge [sflag:s26], $0x4000  }
0x1e5: {  	[sflag:s26] =	ssyncset.done $0x0  }
0x1e6: {  	[sflag:s26] =	ssyncadd.s32 $0xFFFFC000  }
0x1e7: {  	p0 =	sne.s32 s8, $0x1;
	_ =	swait.ge [sflag:s9], $0x4000  }
.Ltmp0:
0x1e8: {  	[sflag:s9] =	ssyncset.done $0x0;
	(pc) =	sbr.rel @p0 .LBB2_1-.Ltmp0, $4  }
0x1e9: {  	[sflag:s9] =	ssyncadd.s32 $0xFFFFC000  }
0x1ea: {  	_ =	swait.ge [sflag:s12], $0x4000  }
0x1eb: {  	[sflag:s12] =	ssyncset.done $0x0  }
0x1ec: {  	s8 =	sadd.s32 $0xFFFFFFFF, s8;
	[sflag:s12] =	ssyncadd.s32 $0xFFFFC000  }
0x1ed: {  	_ =	sfence.sel $0x180000  }
0x1ee: {  	[bflag:$0x0] =	sbarrier.arrive $0xFFFF  }
0x1ef: {  	_ =	strace $0x90000047  }
0x1f0: {  	s0 =	stileid.u32;
	[bflag:$0x2] =	sbarrier.arrive $0xFFFF  }
0x1f1: {  	p0 =	sne.s32 s0, $0x0;
	s0 =	rddreg [dreg:$0x3]  }
0x1f2: {  	s0 =	sadd.s32 @!p0 $0x100000, s0  }
0x1f3: {  	[sflag:s0] =	ssyncadd.tile.s32 @!p0 $0x1;
	_ =	shalt  }
.Lfunc_end2:
_tile_overlayer_lowered:
.L_overlay_start_2:
0x1f4: {  	(tag) =	ssettag $0x2  }
0x1f5: {  	s0 =	rddreg [dreg:$0x0];
	s2 =	stileid.u32  }
0x1f6: {  	s1 =	rddreg [dreg:$0x1];
	p0 =	sne.s32 s2, $0x0  }
0x1f7: {  	s3 =	rddreg [dreg:$0x2];
	[bflag:$0x3] =	sbarrier.arrive $0xFFFF;
	s2 =	simm.s32 @!p0 $0x1C0F  }
0x1f8: {  	[timem:s3], [sflag:s2] =	dma.local @!p0 [hbm:s0], s1  }
0x1f9: {  	s0 =	simm.s32 @!p0 $0xF  }
0x1fa: {  	_ =	swait.ge @!p0 [sflag:s0], s1  }
0x1fb: {  	s1 =	ssub.s32 @!p0 $0x0, s1;
	[sflag:s0] =	ssyncset.done @!p0 $0x0  }
0x1fc: {  	[sflag:s0] =	ssyncadd.s32 @!p0 s1  }
0x1fd: {  	[bflag:$0x3] =	sbarrier.arrive $0xFFFF  }
0x1fe: {  	_ =	shalt  }

</sc_bundles>
